<compile_context>
chip_gen: v7x
topology: tpu7x:2x2x1
jax: 0.10.2.dev20260603
libtpu: 0.0.44.dev20260713+nightly
codegen_flags: <defaults>
</compile_context>

<pallas_src>
import functools

import jax
import jax.numpy as jnp
import numpy as np
from jax import lax
from jax.experimental import pallas as pl
from jax.experimental.pallas import tpu as pltpu
from jax.experimental.pallas import tpu_sc as plsc


def _gather_body(consts, ej, ew, idxj, idxw, outj, outw,
                 idxj_v, idxw_v, rj0, rj1, rw0, rw1,
                 semgj, semgw, semwj, semww):
    (per_w, t_steps, c_rows) = consts
    cid = lax.axis_index("c")
    sid = lax.axis_index("s")
    wid = sid * 2 + cid
    pltpu.sync_copy(idxj.at[wid], idxj_v)
    pltpu.sync_copy(idxw.at[wid], idxw_v)

    del rj1, rw1, semwj, semww

    def step(t, carry):
        base = wid * per_w + t * c_rows
        cpj = pltpu.async_copy(ej.at[idxj_v.at[t]], rj0, semgj)
        cpw = pltpu.async_copy(ew.at[idxw_v.at[t]], rw0, semgw)
        cpj.wait()
        cpw.wait()
        pltpu.sync_copy(rj0, outj.at[pl.ds(base, c_rows)])
        pltpu.sync_copy(rw0, outw.at[pl.ds(base, c_rows)])
        return carry

    lax.fori_loop(0, t_steps, step, 0)


def _attn_body(bn, k, gj_ref, gwp_ref, vj_ref, vw_ref, ev_ref, w1a_ref,
               w1b_ref, w2_ref, b_ref, v_ref, out_ref):
    gj = gj_ref[...]
    gwp = gwp_ref[...]
    dw = w1b_ref.shape[0]
    f_dim = gj.shape[-1]
    base = jnp.dot(ev_ref[...], w1a_ref[...],
                   preferred_element_type=jnp.float32) + b_ref[...]
    avj = jnp.dot(gj, w2_ref[...], preferred_element_type=jnp.float32)
    avw = jnp.concatenate(
        [jnp.dot(gwp[:, g * dw:(g + 1) * dw], w1b_ref[...],
                 preferred_element_type=jnp.float32) for g in range(8)],
        axis=0)
    a_dim = avj.shape[-1]
    mj = (vj_ref[...] > 0).astype(jnp.float32)
    mw = (vw_ref[...] > 0).astype(jnp.float32)
    av3 = (base[:, None, :]
           + mj[:, :, None] * avj.reshape(bn, k, a_dim)
           + mw[:, :, None] * avw.reshape(bn, k, a_dim))
    r = jnp.maximum(av3, 0.0)
    x = jnp.sum(r * v_ref[...][None], axis=2)
    x = x - jnp.max(x, axis=1, keepdims=True)
    e = jnp.exp(x)
    a = e / jnp.sum(e, axis=1, keepdims=True)
    am = a * mj
    gj3 = gj.reshape(bn, k, f_dim)
    out_ref[...] = jnp.sum(am[:, :, None] * gj3, axis=1)


def kernel(ev, ej, ew, v_j, v_w, W_1, W_2, b, v):
    n, f_dim = ev.shape
    k = v_j.shape[1]
    dw_dim = ew.shape[1]
    a_dim = W_1.shape[1]
    e_rows = n * k
    pack = 128 // dw_dim

    w1a = W_1[:f_dim]
    w1b = W_1[f_dim:]
    bn = 400
    assert n % bn == 0
    nblk = n // bn
    rb = bn * k

    info = plsc.get_sparse_core_info()
    nw = info.num_cores * info.num_subcores
    n_chunks = 5
    nc = n // n_chunks
    ec = nc * k
    assert ec % nw == 0
    per_w = ec // nw
    c_rows = 80
    assert per_w % c_rows == 0
    t_steps = per_w // c_rows
    assert nc % bn == 0
    nblk_c = nc // bn

    jc = jnp.maximum(v_j - 1, 0)
    wc = jnp.maximum(v_w - 1, 0)

    mesh = plsc.VectorSubcoreMesh(core_axis_name="c", subcore_axis_name="s")
    gather = pl.kernel(
        functools.partial(_gather_body, (per_w, t_steps, c_rows)),
        out_type=[jax.ShapeDtypeStruct((ec, f_dim), jnp.float32),
                  jax.ShapeDtypeStruct((ec, dw_dim), jnp.float32)],
        mesh=mesh,
        scratch_types=[
            pltpu.VMEM((t_steps, c_rows), jnp.int32),
            pltpu.VMEM((t_steps, c_rows), jnp.int32),
            pltpu.VMEM((c_rows, f_dim), jnp.float32),
            pltpu.VMEM((c_rows, f_dim), jnp.float32),
            pltpu.VMEM((c_rows, dw_dim), jnp.float32),
            pltpu.VMEM((c_rows, dw_dim), jnp.float32),
            pltpu.SemaphoreType.DMA,
            pltpu.SemaphoreType.DMA,
            pltpu.SemaphoreType.DMA,
            pltpu.SemaphoreType.DMA,
        ],
        compiler_params=pltpu.CompilerParams(use_tc_tiling_on_sc=False),
    )

    attn = pl.pallas_call(
        functools.partial(_attn_body, bn, k),
        grid=(nblk_c,),
        in_specs=[
            pl.BlockSpec((rb, f_dim), lambda i: (i, 0)),
            pl.BlockSpec((rb // pack, 128), lambda i: (i, 0)),
            pl.BlockSpec((bn, k), lambda i: (i, 0)),
            pl.BlockSpec((bn, k), lambda i: (i, 0)),
            pl.BlockSpec((bn, f_dim), lambda i: (i, 0)),
            pl.BlockSpec((f_dim, a_dim), lambda i: (0, 0)),
            pl.BlockSpec((dw_dim, a_dim), lambda i: (0, 0)),
            pl.BlockSpec((f_dim, a_dim), lambda i: (0, 0)),
            pl.BlockSpec((1, a_dim), lambda i: (0, 0)),
            pl.BlockSpec((1, a_dim), lambda i: (0, 0)),
        ],
        out_specs=pl.BlockSpec((bn, f_dim), lambda i: (i, 0)),
        out_shape=jax.ShapeDtypeStruct((nc, f_dim), jnp.float32),
    )

    gathered = []
    for s in range(n_chunks):
        nd = slice(s * nc, (s + 1) * nc)
        idxj_s = jc[nd].reshape(nw, t_steps, c_rows)
        idxw_s = jnp.transpose(
            wc[nd].reshape(nblk_c, pack, rb // pack),
            (0, 2, 1)).reshape(nw, t_steps, c_rows)
        gathered.append(gather(ej, ew, idxj_s, idxw_s))
    outs = []
    for s in range(n_chunks):
        nd = slice(s * nc, (s + 1) * nc)
        gj, gw = gathered[s]
        gwp = gw.reshape(ec // pack, 128)
        outs.append(attn(gj, gwp, v_j[nd], v_w[nd], ev[nd],
                         w1a, w1b, W_2, b, v))
    return jnp.concatenate(outs, axis=0)

# --- scband reference (transcript-rebuilt; emitter-appended) ---
"""Pipeline reference for scband-attention1-45535243272581 (READ-ONLY COPY).

The authoritative reference and input builder live on the scoring server;
editing this copy changes nothing except your own understanding.
"""

import jax, jax.numpy as jnp
import numpy as np


def setup_inputs(seed: int = 0) -> dict:
    key = jax.random.key(seed)
    ks = jax.random.split(key, 9)
    N, k, F, Dw, A = 10000, 32, 128, 16, 128
    Nw = 320000
    ev = jax.random.normal(ks[0], (N, F), dtype=jnp.float32)
    ej = jax.random.normal(ks[1], (N, F), dtype=jnp.float32)
    ew = jax.random.normal(ks[2], (Nw, Dw), dtype=jnp.float32)
    v_j = jax.random.randint(ks[3], (N, k), 0, N, dtype=jnp.int32)
    v_w = jax.random.randint(ks[4], (N, k), 0, Nw, dtype=jnp.int32)
    W_1 = jax.random.normal(ks[5], (F + Dw, A), dtype=jnp.float32) * 0.05
    W_2 = jax.random.normal(ks[6], (F, A), dtype=jnp.float32) * 0.05
    b = jax.random.normal(ks[7], (1, A), dtype=jnp.float32) * 0.05
    v = jax.random.normal(ks[8], (1, A), dtype=jnp.float32) * 0.05
    return {"ev": ev, "ej": ej, "ew": ew, "v_j": v_j, "v_w": v_w,
            "W_1": W_1, "W_2": W_2, "b": b, "v": v}


def reference(ev, ej, ew, v_j, v_w, W_1, W_2, b, v):
    # prepend zero-padding row (index 0 acts as padding neighbor)
    ej_p = jnp.concatenate([jnp.zeros((1, ej.shape[1]), dtype=ej.dtype), ej], axis=0)
    ew_p = jnp.concatenate([jnp.zeros((1, ew.shape[1]), dtype=ew.dtype), ew], axis=0)
    k = v_j.shape[1]
    eNj = jnp.take(ej_p, v_j, axis=0)          # [N, k, F] gather
    eNw = jnp.take(ew_p, v_w, axis=0)          # [N, k, Dw] gather
    eNv = jnp.repeat(ev[:, None, :], k, axis=1)  # [N, k, F]
    eN_vw = jnp.concatenate([eNv, eNw], axis=-1) # [N, k, F+Dw]
    av_j = jnp.matmul(eN_vw, W_1) + jnp.matmul(eNj, W_2) + b  # [N, k, A]
    x = jnp.matmul(jax.nn.relu(av_j), v.T)     # [N, k, 1]
    a = jax.nn.softmax(x, axis=1)              # softmax over neighbors
    eN = jnp.sum(a * eNj, axis=1)              # [N, F]
    return eN

if __name__ == "__main__":
    import jax
    _d = setup_inputs()
    print(jax.jit(kernel)(*tuple(_d.values())))

</pallas_src>

<mosaic_0001>
#map = affine_map<(d0, d1) -> (0, 0)>
#map1 = affine_map<(d0, d1) -> (0, 0, 0)>
module attributes {stable_mosaic.version = 14 : i64} {
  func.func @_gather_body(%arg0: i32, %arg1: i32, %arg2: memref<10000x128xf32, #tpu.memory_space<hbm>>, %arg3: memref<320000x16xf32, #tpu.memory_space<hbm>>, %arg4: memref<32x25x80xi32, #tpu.memory_space<hbm>>, %arg5: memref<32x25x80xi32, #tpu.memory_space<hbm>>, %arg6: memref<64000x128xf32, #tpu.memory_space<hbm>>, %arg7: memref<64000x16xf32, #tpu.memory_space<hbm>>, %arg8: memref<25x80xi32, #tpu.memory_space<vmem>>, %arg9: memref<25x80xi32, #tpu.memory_space<vmem>>, %arg10: memref<80x128xf32, #tpu.memory_space<vmem>>, %arg11: memref<80x128xf32, #tpu.memory_space<vmem>>, %arg12: memref<80x16xf32, #tpu.memory_space<vmem>>, %arg13: memref<80x16xf32, #tpu.memory_space<vmem>>, %arg14: memref<!tpu.dma_semaphore, #tpu.memory_space<semaphore_mem>>, %arg15: memref<!tpu.dma_semaphore, #tpu.memory_space<semaphore_mem>>, %arg16: memref<!tpu.dma_semaphore, #tpu.memory_space<semaphore_mem>>, %arg17: memref<!tpu.dma_semaphore, #tpu.memory_space<semaphore_mem>>) attributes {dimension_semantics = [#tpu.dimension_semantics<core_parallel>, #tpu.dimension_semantics<subcore_parallel>], iteration_bounds = array<i64: 2, 16>, scalar_prefetch = 0 : i64, scratch_operands = 10 : i64, tpu.core_type = #tpu.core_type<sc_vector_subcore>, window_params = [{transform_indices = #map}, {transform_indices = #map}, {transform_indices = #map1}, {transform_indices = #map1}, {transform_indices = #map}, {transform_indices = #map}]} {
    %mul3A = arith.constant 2 : i32
    %mul3A_0 = arith.muli %arg1, %mul3A : i32
    %add3A = arith.addi %mul3A_0, %arg0 : i32
    "tpu.region"() ({
      %run_scoped3A = tpu.sem_alloc : memref<!tpu.dma_semaphore, #tpu.memory_space<semaphore_mem>>
      %dma_start3A = arith.constant 0 : i32
      %dma_start3A_6 = arith.constant 0 : i32
      %dma_start3A_7 = tpu.memref_slice %arg4[%add3A, %dma_start3A, %dma_start3A_6] : memref<32x25x80xi32, #tpu.memory_space<hbm>> -> memref<1x25x80xi32, #tpu.memory_space<hbm>>
      %dma_start3A_8 = tpu.memref_squeeze %dma_start3A_7 : memref<1x25x80xi32, #tpu.memory_space<hbm>> -> memref<25x80xi32, #tpu.memory_space<hbm>>
      %dma_start3A_9 = arith.constant 0 : i32
      %dma_start3A_10 = arith.constant 0 : i32
      %dma_start3A_11 = tpu.memref_slice %arg4[%add3A, %dma_start3A_9, %dma_start3A_10] : memref<32x25x80xi32, #tpu.memory_space<hbm>> -> memref<1x25x80xi32, #tpu.memory_space<hbm>>
      %dma_start3A_12 = tpu.memref_squeeze %dma_start3A_11 : memref<1x25x80xi32, #tpu.memory_space<hbm>> -> memref<25x80xi32, #tpu.memory_space<hbm>>
      tpu.enqueue_dma source(%dma_start3A_12 : memref<25x80xi32, #tpu.memory_space<hbm>>) target(%arg8 : memref<25x80xi32, #tpu.memory_space<vmem>>) target_semaphore(%run_scoped3A : memref<!tpu.dma_semaphore, #tpu.memory_space<semaphore_mem>>)
      %dma_wait3A = arith.constant 0 : i32
      %dma_wait3A_13 = arith.constant 0 : i32
      %dma_wait3A_14 = tpu.memref_slice %arg4[%add3A, %dma_wait3A, %dma_wait3A_13] : memref<32x25x80xi32, #tpu.memory_space<hbm>> -> memref<1x25x80xi32, #tpu.memory_space<hbm>>
      %dma_wait3A_15 = tpu.memref_squeeze %dma_wait3A_14 : memref<1x25x80xi32, #tpu.memory_space<hbm>> -> memref<25x80xi32, #tpu.memory_space<hbm>>
      %dma_wait3A_16 = arith.constant 0 : i32
      %dma_wait3A_17 = arith.constant 0 : i32
      %dma_wait3A_18 = tpu.memref_slice %arg4[%add3A, %dma_wait3A_16, %dma_wait3A_17] : memref<32x25x80xi32, #tpu.memory_space<hbm>> -> memref<1x25x80xi32, #tpu.memory_space<hbm>>
      %dma_wait3A_19 = tpu.memref_squeeze %dma_wait3A_18 : memref<1x25x80xi32, #tpu.memory_space<hbm>> -> memref<25x80xi32, #tpu.memory_space<hbm>>
      tpu.wait_dma2 semaphore(%run_scoped3A : memref<!tpu.dma_semaphore, #tpu.memory_space<semaphore_mem>>) src(%dma_wait3A_19 : memref<25x80xi32, #tpu.memory_space<hbm>>) dst(%arg8 : memref<25x80xi32, #tpu.memory_space<vmem>>)
      tpu.yield
    }) : () -> ()
    "tpu.region"() ({
      %run_scoped3A = tpu.sem_alloc : memref<!tpu.dma_semaphore, #tpu.memory_space<semaphore_mem>>
      %dma_start3A = arith.constant 0 : i32
      %dma_start3A_6 = arith.constant 0 : i32
      %dma_start3A_7 = tpu.memref_slice %arg5[%add3A, %dma_start3A, %dma_start3A_6] : memref<32x25x80xi32, #tpu.memory_space<hbm>> -> memref<1x25x80xi32, #tpu.memory_space<hbm>>
      %dma_start3A_8 = tpu.memref_squeeze %dma_start3A_7 : memref<1x25x80xi32, #tpu.memory_space<hbm>> -> memref<25x80xi32, #tpu.memory_space<hbm>>
      %dma_start3A_9 = arith.constant 0 : i32
      %dma_start3A_10 = arith.constant 0 : i32
      %dma_start3A_11 = tpu.memref_slice %arg5[%add3A, %dma_start3A_9, %dma_start3A_10] : memref<32x25x80xi32, #tpu.memory_space<hbm>> -> memref<1x25x80xi32, #tpu.memory_space<hbm>>
      %dma_start3A_12 = tpu.memref_squeeze %dma_start3A_11 : memref<1x25x80xi32, #tpu.memory_space<hbm>> -> memref<25x80xi32, #tpu.memory_space<hbm>>
      tpu.enqueue_dma source(%dma_start3A_12 : memref<25x80xi32, #tpu.memory_space<hbm>>) target(%arg9 : memref<25x80xi32, #tpu.memory_space<vmem>>) target_semaphore(%run_scoped3A : memref<!tpu.dma_semaphore, #tpu.memory_space<semaphore_mem>>)
      %dma_wait3A = arith.constant 0 : i32
      %dma_wait3A_13 = arith.constant 0 : i32
      %dma_wait3A_14 = tpu.memref_slice %arg5[%add3A, %dma_wait3A, %dma_wait3A_13] : memref<32x25x80xi32, #tpu.memory_space<hbm>> -> memref<1x25x80xi32, #tpu.memory_space<hbm>>
      %dma_wait3A_15 = tpu.memref_squeeze %dma_wait3A_14 : memref<1x25x80xi32, #tpu.memory_space<hbm>> -> memref<25x80xi32, #tpu.memory_space<hbm>>
      %dma_wait3A_16 = arith.constant 0 : i32
      %dma_wait3A_17 = arith.constant 0 : i32
      %dma_wait3A_18 = tpu.memref_slice %arg5[%add3A, %dma_wait3A_16, %dma_wait3A_17] : memref<32x25x80xi32, #tpu.memory_space<hbm>> -> memref<1x25x80xi32, #tpu.memory_space<hbm>>
      %dma_wait3A_19 = tpu.memref_squeeze %dma_wait3A_18 : memref<1x25x80xi32, #tpu.memory_space<hbm>> -> memref<25x80xi32, #tpu.memory_space<hbm>>
      tpu.wait_dma2 semaphore(%run_scoped3A : memref<!tpu.dma_semaphore, #tpu.memory_space<semaphore_mem>>) src(%dma_wait3A_19 : memref<25x80xi32, #tpu.memory_space<hbm>>) dst(%arg9 : memref<25x80xi32, #tpu.memory_space<vmem>>)
      tpu.yield
    }) : () -> ()
    %scan3A = arith.constant 0 : i32
    %scan3A_1 = arith.constant 0 : i32
    %scan3A_2 = arith.constant 25 : i32
    %scan3A_3 = arith.addi %scan3A_1, %scan3A_2 : i32
    %scan3A_4 = arith.constant 1 : i32
    scf.for %scan3A_6 = %scan3A_1 to %scan3A_3 step %scan3A_4  : i32 {
      %mul3A_7 = arith.constant 2000 : i32
      %mul3A_8 = arith.muli %add3A, %mul3A_7 : i32
      %mul3A_9 = arith.constant 80 : i32
      %mul3A_10 = arith.muli %scan3A_6, %mul3A_9 : i32
      %add3A_11 = arith.addi %mul3A_8, %mul3A_10 : i32
      %dma_start3A = arith.constant 0 : i32
      %dma_start3A_12 = tpu.memref_slice %arg8[%scan3A_6, %dma_start3A] : memref<25x80xi32, #tpu.memory_space<vmem>> -> memref<1x80xi32, #tpu.memory_space<vmem>>
      %dma_start3A_13 = tpu.memref_squeeze %dma_start3A_12 : memref<1x80xi32, #tpu.memory_space<vmem>> -> memref<80xi32, #tpu.memory_space<vmem>>
      %dma_start3A_14 = arith.constant 0 : i32
      %dma_start3A_15 = arith.constant 0 : i32
      %dma_start3A_16 = tpu.memref_slice %arg2[%dma_start3A_14, %dma_start3A_15] : memref<10000x128xf32, #tpu.memory_space<hbm>> -> memref<10000x128xf32, #tpu.memory_space<hbm>>
      tpu.enqueue_indirect_dma source(%dma_start3A_16 : memref<10000x128xf32, #tpu.memory_space<hbm>>) target(%arg10 : memref<80x128xf32, #tpu.memory_space<vmem>>) offsets(%dma_start3A_13 : memref<80xi32, #tpu.memory_space<vmem>>) semaphore(%arg14 : memref<!tpu.dma_semaphore, #tpu.memory_space<semaphore_mem>>)
      %dma_start3A_17 = arith.constant 0 : i32
      %dma_start3A_18 = tpu.memref_slice %arg9[%scan3A_6, %dma_start3A_17] : memref<25x80xi32, #tpu.memory_space<vmem>> -> memref<1x80xi32, #tpu.memory_space<vmem>>
      %dma_start3A_19 = tpu.memref_squeeze %dma_start3A_18 : memref<1x80xi32, #tpu.memory_space<vmem>> -> memref<80xi32, #tpu.memory_space<vmem>>
      %dma_start3A_20 = arith.constant 0 : i32
      %dma_start3A_21 = arith.constant 0 : i32
      %dma_start3A_22 = tpu.memref_slice %arg3[%dma_start3A_20, %dma_start3A_21] : memref<320000x16xf32, #tpu.memory_space<hbm>> -> memref<320000x16xf32, #tpu.memory_space<hbm>>
      tpu.enqueue_indirect_dma source(%dma_start3A_22 : memref<320000x16xf32, #tpu.memory_space<hbm>>) target(%arg12 : memref<80x16xf32, #tpu.memory_space<vmem>>) offsets(%dma_start3A_19 : memref<80xi32, #tpu.memory_space<vmem>>) semaphore(%arg15 : memref<!tpu.dma_semaphore, #tpu.memory_space<semaphore_mem>>)
      %dma_wait3A = arith.constant 0 : i32
      %dma_wait3A_23 = tpu.memref_slice %arg8[%scan3A_6, %dma_wait3A] : memref<25x80xi32, #tpu.memory_space<vmem>> -> memref<1x80xi32, #tpu.memory_space<vmem>>
      %dma_wait3A_24 = tpu.memref_squeeze %dma_wait3A_23 : memref<1x80xi32, #tpu.memory_space<vmem>> -> memref<80xi32, #tpu.memory_space<vmem>>
      %dma_wait3A_25 = arith.constant 0 : i32
      %dma_wait3A_26 = arith.constant 0 : i32
      %dma_wait3A_27 = tpu.memref_slice %arg2[%dma_wait3A_25, %dma_wait3A_26] : memref<10000x128xf32, #tpu.memory_space<hbm>> -> memref<10000x128xf32, #tpu.memory_space<hbm>>
      tpu.wait_indirect_dma semaphore(%arg14 : memref<!tpu.dma_semaphore, #tpu.memory_space<semaphore_mem>>) src(%dma_wait3A_27 : memref<10000x128xf32, #tpu.memory_space<hbm>>) dst(%arg10 : memref<80x128xf32, #tpu.memory_space<vmem>>)
      %dma_wait3A_28 = arith.constant 0 : i32
      %dma_wait3A_29 = tpu.memref_slice %arg9[%scan3A_6, %dma_wait3A_28] : memref<25x80xi32, #tpu.memory_space<vmem>> -> memref<1x80xi32, #tpu.memory_space<vmem>>
      %dma_wait3A_30 = tpu.memref_squeeze %dma_wait3A_29 : memref<1x80xi32, #tpu.memory_space<vmem>> -> memref<80xi32, #tpu.memory_space<vmem>>
      %dma_wait3A_31 = arith.constant 0 : i32
      %dma_wait3A_32 = arith.constant 0 : i32
      %dma_wait3A_33 = tpu.memref_slice %arg3[%dma_wait3A_31, %dma_wait3A_32] : memref<320000x16xf32, #tpu.memory_space<hbm>> -> memref<320000x16xf32, #tpu.memory_space<hbm>>
      tpu.wait_indirect_dma semaphore(%arg15 : memref<!tpu.dma_semaphore, #tpu.memory_space<semaphore_mem>>) src(%dma_wait3A_33 : memref<320000x16xf32, #tpu.memory_space<hbm>>) dst(%arg12 : memref<80x16xf32, #tpu.memory_space<vmem>>)
      "tpu.region"() ({
        %run_scoped3A = tpu.sem_alloc : memref<!tpu.dma_semaphore, #tpu.memory_space<semaphore_mem>>
        %dma_start3A_34 = arith.constant 0 : i32
        %dma_start3A_35 = tpu.memref_slice %arg6[%add3A_11, %dma_start3A_34] : memref<64000x128xf32, #tpu.memory_space<hbm>> -> memref<80x128xf32, #tpu.memory_space<hbm>>
        %dma_start3A_36 = arith.constant 0 : i32
        %dma_start3A_37 = tpu.memref_slice %arg6[%add3A_11, %dma_start3A_36] : memref<64000x128xf32, #tpu.memory_space<hbm>> -> memref<80x128xf32, #tpu.memory_space<hbm>>
        tpu.enqueue_dma source(%arg10 : memref<80x128xf32, #tpu.memory_space<vmem>>) target(%dma_start3A_37 : memref<80x128xf32, #tpu.memory_space<hbm>>) target_semaphore(%run_scoped3A : memref<!tpu.dma_semaphore, #tpu.memory_space<semaphore_mem>>)
        %dma_wait3A_38 = arith.constant 0 : i32
        %dma_wait3A_39 = tpu.memref_slice %arg6[%add3A_11, %dma_wait3A_38] : memref<64000x128xf32, #tpu.memory_space<hbm>> -> memref<80x128xf32, #tpu.memory_space<hbm>>
        %dma_wait3A_40 = arith.constant 0 : i32
        %dma_wait3A_41 = tpu.memref_slice %arg6[%add3A_11, %dma_wait3A_40] : memref<64000x128xf32, #tpu.memory_space<hbm>> -> memref<80x128xf32, #tpu.memory_space<hbm>>
        tpu.wait_dma2 semaphore(%run_scoped3A : memref<!tpu.dma_semaphore, #tpu.memory_space<semaphore_mem>>) src(%arg10 : memref<80x128xf32, #tpu.memory_space<vmem>>) dst(%dma_wait3A_41 : memref<80x128xf32, #tpu.memory_space<hbm>>)
        tpu.yield
      }) : () -> ()
      "tpu.region"() ({
        %run_scoped3A = tpu.sem_alloc : memref<!tpu.dma_semaphore, #tpu.memory_space<semaphore_mem>>
        %dma_start3A_34 = arith.constant 0 : i32
        %dma_start3A_35 = tpu.memref_slice %arg7[%add3A_11, %dma_start3A_34] : memref<64000x16xf32, #tpu.memory_space<hbm>> -> memref<80x16xf32, #tpu.memory_space<hbm>>
        %dma_start3A_36 = arith.constant 0 : i32
        %dma_start3A_37 = tpu.memref_slice %arg7[%add3A_11, %dma_start3A_36] : memref<64000x16xf32, #tpu.memory_space<hbm>> -> memref<80x16xf32, #tpu.memory_space<hbm>>
        tpu.enqueue_dma source(%arg12 : memref<80x16xf32, #tpu.memory_space<vmem>>) target(%dma_start3A_37 : memref<80x16xf32, #tpu.memory_space<hbm>>) target_semaphore(%run_scoped3A : memref<!tpu.dma_semaphore, #tpu.memory_space<semaphore_mem>>)
        %dma_wait3A_38 = arith.constant 0 : i32
        %dma_wait3A_39 = tpu.memref_slice %arg7[%add3A_11, %dma_wait3A_38] : memref<64000x16xf32, #tpu.memory_space<hbm>> -> memref<80x16xf32, #tpu.memory_space<hbm>>
        %dma_wait3A_40 = arith.constant 0 : i32
        %dma_wait3A_41 = tpu.memref_slice %arg7[%add3A_11, %dma_wait3A_40] : memref<64000x16xf32, #tpu.memory_space<hbm>> -> memref<80x16xf32, #tpu.memory_space<hbm>>
        tpu.wait_dma2 semaphore(%run_scoped3A : memref<!tpu.dma_semaphore, #tpu.memory_space<semaphore_mem>>) src(%arg12 : memref<80x16xf32, #tpu.memory_space<vmem>>) dst(%dma_wait3A_41 : memref<80x16xf32, #tpu.memory_space<hbm>>)
        tpu.yield
      }) : () -> ()
    }
    %scan3A_5 = arith.constant 25 : i32
    return
  }
}

#map = affine_map<(d0, d1) -> (0, 0)>
#map1 = affine_map<(d0, d1) -> (0, 0, 0)>
module attributes {stable_mosaic.version = 14 : i64} {
  func.func @_gather_body(%arg0: i32, %arg1: i32, %arg2: memref<10000x128xf32, #tpu.memory_space<hbm>>, %arg3: memref<320000x16xf32, #tpu.memory_space<hbm>>, %arg4: memref<32x25x80xi32, #tpu.memory_space<hbm>>, %arg5: memref<32x25x80xi32, #tpu.memory_space<hbm>>, %arg6: memref<64000x128xf32, #tpu.memory_space<hbm>>, %arg7: memref<64000x16xf32, #tpu.memory_space<hbm>>, %arg8: memref<25x80xi32, #tpu.memory_space<vmem>>, %arg9: memref<25x80xi32, #tpu.memory_space<vmem>>, %arg10: memref<80x128xf32, #tpu.memory_space<vmem>>, %arg11: memref<80x128xf32, #tpu.memory_space<vmem>>, %arg12: memref<80x16xf32, #tpu.memory_space<vmem>>, %arg13: memref<80x16xf32, #tpu.memory_space<vmem>>, %arg14: memref<!tpu.dma_semaphore, #tpu.memory_space<semaphore_mem>>, %arg15: memref<!tpu.dma_semaphore, #tpu.memory_space<semaphore_mem>>, %arg16: memref<!tpu.dma_semaphore, #tpu.memory_space<semaphore_mem>>, %arg17: memref<!tpu.dma_semaphore, #tpu.memory_space<semaphore_mem>>) attributes {dimension_semantics = [#tpu.dimension_semantics<core_parallel>, #tpu.dimension_semantics<subcore_parallel>], iteration_bounds = array<i64: 2, 16>, scalar_prefetch = 0 : i64, scratch_operands = 10 : i64, tpu.core_type = #tpu.core_type<sc_vector_subcore>, window_params = [{transform_indices = #map}, {transform_indices = #map}, {transform_indices = #map1}, {transform_indices = #map1}, {transform_indices = #map}, {transform_indices = #map}]} {
    %mul3A = arith.constant 2 : i32
    %mul3A_0 = arith.muli %arg1, %mul3A : i32
    %add3A = arith.addi %mul3A_0, %arg0 : i32
    "tpu.region"() ({
      %run_scoped3A = tpu.sem_alloc : memref<!tpu.dma_semaphore, #tpu.memory_space<semaphore_mem>>
      %dma_start3A = arith.constant 0 : i32
      %dma_start3A_6 = arith.constant 0 : i32
      %dma_start3A_7 = tpu.memref_slice %arg4[%add3A, %dma_start3A, %dma_start3A_6] : memref<32x25x80xi32, #tpu.memory_space<hbm>> -> memref<1x25x80xi32, #tpu.memory_space<hbm>>
      %dma_start3A_8 = tpu.memref_squeeze %dma_start3A_7 : memref<1x25x80xi32, #tpu.memory_space<hbm>> -> memref<25x80xi32, #tpu.memory_space<hbm>>
      %dma_start3A_9 = arith.constant 0 : i32
      %dma_start3A_10 = arith.constant 0 : i32
      %dma_start3A_11 = tpu.memref_slice %arg4[%add3A, %dma_start3A_9, %dma_start3A_10] : memref<32x25x80xi32, #tpu.memory_space<hbm>> -> memref<1x25x80xi32, #tpu.memory_space<hbm>>
      %dma_start3A_12 = tpu.memref_squeeze %dma_start3A_11 : memref<1x25x80xi32, #tpu.memory_space<hbm>> -> memref<25x80xi32, #tpu.memory_space<hbm>>
      tpu.enqueue_dma source(%dma_start3A_12 : memref<25x80xi32, #tpu.memory_space<hbm>>) target(%arg8 : memref<25x80xi32, #tpu.memory_space<vmem>>) target_semaphore(%run_scoped3A : memref<!tpu.dma_semaphore, #tpu.memory_space<semaphore_mem>>)
      %dma_wait3A = arith.constant 0 : i32
      %dma_wait3A_13 = arith.constant 0 : i32
      %dma_wait3A_14 = tpu.memref_slice %arg4[%add3A, %dma_wait3A, %dma_wait3A_13] : memref<32x25x80xi32, #tpu.memory_space<hbm>> -> memref<1x25x80xi32, #tpu.memory_space<hbm>>
      %dma_wait3A_15 = tpu.memref_squeeze %dma_wait3A_14 : memref<1x25x80xi32, #tpu.memory_space<hbm>> -> memref<25x80xi32, #tpu.memory_space<hbm>>
      %dma_wait3A_16 = arith.constant 0 : i32
      %dma_wait3A_17 = arith.constant 0 : i32
      %dma_wait3A_18 = tpu.memref_slice %arg4[%add3A, %dma_wait3A_16, %dma_wait3A_17] : memref<32x25x80xi32, #tpu.memory_space<hbm>> -> memref<1x25x80xi32, #tpu.memory_space<hbm>>
      %dma_wait3A_19 = tpu.memref_squeeze %dma_wait3A_18 : memref<1x25x80xi32, #tpu.memory_space<hbm>> -> memref<25x80xi32, #tpu.memory_space<hbm>>
      tpu.wait_dma2 semaphore(%run_scoped3A : memref<!tpu.dma_semaphore, #tpu.memory_space<semaphore_mem>>) src(%dma_wait3A_19 : memref<25x80xi32, #tpu.memory_space<hbm>>) dst(%arg8 : memref<25x80xi32, #tpu.memory_space<vmem>>)
      tpu.yield
    }) : () -> ()
    "tpu.region"() ({
      %run_scoped3A = tpu.sem_alloc : memref<!tpu.dma_semaphore, #tpu.memory_space<semaphore_mem>>
      %dma_start3A = arith.constant 0 : i32
      %dma_start3A_6 = arith.constant 0 : i32
      %dma_start3A_7 = tpu.memref_slice %arg5[%add3A, %dma_start3A, %dma_start3A_6] : memref<32x25x80xi32, #tpu.memory_space<hbm>> -> memref<1x25x80xi32, #tpu.memory_space<hbm>>
      %dma_start3A_8 = tpu.memref_squeeze %dma_start3A_7 : memref<1x25x80xi32, #tpu.memory_space<hbm>> -> memref<25x80xi32, #tpu.memory_space<hbm>>
      %dma_start3A_9 = arith.constant 0 : i32
      %dma_start3A_10 = arith.constant 0 : i32
      %dma_start3A_11 = tpu.memref_slice %arg5[%add3A, %dma_start3A_9, %dma_start3A_10] : memref<32x25x80xi32, #tpu.memory_space<hbm>> -> memref<1x25x80xi32, #tpu.memory_space<hbm>>
      %dma_start3A_12 = tpu.memref_squeeze %dma_start3A_11 : memref<1x25x80xi32, #tpu.memory_space<hbm>> -> memref<25x80xi32, #tpu.memory_space<hbm>>
      tpu.enqueue_dma source(%dma_start3A_12 : memref<25x80xi32, #tpu.memory_space<hbm>>) target(%arg9 : memref<25x80xi32, #tpu.memory_space<vmem>>) target_semaphore(%run_scoped3A : memref<!tpu.dma_semaphore, #tpu.memory_space<semaphore_mem>>)
      %dma_wait3A = arith.constant 0 : i32
      %dma_wait3A_13 = arith.constant 0 : i32
      %dma_wait3A_14 = tpu.memref_slice %arg5[%add3A, %dma_wait3A, %dma_wait3A_13] : memref<32x25x80xi32, #tpu.memory_space<hbm>> -> memref<1x25x80xi32, #tpu.memory_space<hbm>>
      %dma_wait3A_15 = tpu.memref_squeeze %dma_wait3A_14 : memref<1x25x80xi32, #tpu.memory_space<hbm>> -> memref<25x80xi32, #tpu.memory_space<hbm>>
      %dma_wait3A_16 = arith.constant 0 : i32
      %dma_wait3A_17 = arith.constant 0 : i32
      %dma_wait3A_18 = tpu.memref_slice %arg5[%add3A, %dma_wait3A_16, %dma_wait3A_17] : memref<32x25x80xi32, #tpu.memory_space<hbm>> -> memref<1x25x80xi32, #tpu.memory_space<hbm>>
      %dma_wait3A_19 = tpu.memref_squeeze %dma_wait3A_18 : memref<1x25x80xi32, #tpu.memory_space<hbm>> -> memref<25x80xi32, #tpu.memory_space<hbm>>
      tpu.wait_dma2 semaphore(%run_scoped3A : memref<!tpu.dma_semaphore, #tpu.memory_space<semaphore_mem>>) src(%dma_wait3A_19 : memref<25x80xi32, #tpu.memory_space<hbm>>) dst(%arg9 : memref<25x80xi32, #tpu.memory_space<vmem>>)
      tpu.yield
    }) : () -> ()
    %scan3A = arith.constant 0 : i32
    %scan3A_1 = arith.constant 0 : i32
    %scan3A_2 = arith.constant 25 : i32
    %scan3A_3 = arith.addi %scan3A_1, %scan3A_2 : i32
    %scan3A_4 = arith.constant 1 : i32
    scf.for %scan3A_6 = %scan3A_1 to %scan3A_3 step %scan3A_4  : i32 {
      %mul3A_7 = arith.constant 2000 : i32
      %mul3A_8 = arith.muli %add3A, %mul3A_7 : i32
      %mul3A_9 = arith.constant 80 : i32
      %mul3A_10 = arith.muli %scan3A_6, %mul3A_9 : i32
      %add3A_11 = arith.addi %mul3A_8, %mul3A_10 : i32
      %dma_start3A = arith.constant 0 : i32
      %dma_start3A_12 = tpu.memref_slice %arg8[%scan3A_6, %dma_start3A] : memref<25x80xi32, #tpu.memory_space<vmem>> -> memref<1x80xi32, #tpu.memory_space<vmem>>
      %dma_start3A_13 = tpu.memref_squeeze %dma_start3A_12 : memref<1x80xi32, #tpu.memory_space<vmem>> -> memref<80xi32, #tpu.memory_space<vmem>>
      %dma_start3A_14 = arith.constant 0 : i32
      %dma_start3A_15 = arith.constant 0 : i32
      %dma_start3A_16 = tpu.memref_slice %arg2[%dma_start3A_14, %dma_start3A_15] : memref<10000x128xf32, #tpu.memory_space<hbm>> -> memref<10000x128xf32, #tpu.memory_space<hbm>>
      tpu.enqueue_indirect_dma source(%dma_start3A_16 : memref<10000x128xf32, #tpu.memory_space<hbm>>) target(%arg10 : memref<80x128xf32, #tpu.memory_space<vmem>>) offsets(%dma_start3A_13 : memref<80xi32, #tpu.memory_space<vmem>>) semaphore(%arg14 : memref<!tpu.dma_semaphore, #tpu.memory_space<semaphore_mem>>)
      %dma_start3A_17 = arith.constant 0 : i32
      %dma_start3A_18 = tpu.memref_slice %arg9[%scan3A_6, %dma_start3A_17] : memref<25x80xi32, #tpu.memory_space<vmem>> -> memref<1x80xi32, #tpu.memory_space<vmem>>
      %dma_start3A_19 = tpu.memref_squeeze %dma_start3A_18 : memref<1x80xi32, #tpu.memory_space<vmem>> -> memref<80xi32, #tpu.memory_space<vmem>>
      %dma_start3A_20 = arith.constant 0 : i32
      %dma_start3A_21 = arith.constant 0 : i32
      %dma_start3A_22 = tpu.memref_slice %arg3[%dma_start3A_20, %dma_start3A_21] : memref<320000x16xf32, #tpu.memory_space<hbm>> -> memref<320000x16xf32, #tpu.memory_space<hbm>>
      tpu.enqueue_indirect_dma source(%dma_start3A_22 : memref<320000x16xf32, #tpu.memory_space<hbm>>) target(%arg12 : memref<80x16xf32, #tpu.memory_space<vmem>>) offsets(%dma_start3A_19 : memref<80xi32, #tpu.memory_space<vmem>>) semaphore(%arg15 : memref<!tpu.dma_semaphore, #tpu.memory_space<semaphore_mem>>)
      %dma_wait3A = arith.constant 0 : i32
      %dma_wait3A_23 = tpu.memref_slice %arg8[%scan3A_6, %dma_wait3A] : memref<25x80xi32, #tpu.memory_space<vmem>> -> memref<1x80xi32, #tpu.memory_space<vmem>>
      %dma_wait3A_24 = tpu.memref_squeeze %dma_wait3A_23 : memref<1x80xi32, #tpu.memory_space<vmem>> -> memref<80xi32, #tpu.memory_space<vmem>>
      %dma_wait3A_25 = arith.constant 0 : i32
      %dma_wait3A_26 = arith.constant 0 : i32
      %dma_wait3A_27 = tpu.memref_slice %arg2[%dma_wait3A_25, %dma_wait3A_26] : memref<10000x128xf32, #tpu.memory_space<hbm>> -> memref<10000x128xf32, #tpu.memory_space<hbm>>
      tpu.wait_indirect_dma semaphore(%arg14 : memref<!tpu.dma_semaphore, #tpu.memory_space<semaphore_mem>>) src(%dma_wait3A_27 : memref<10000x128xf32, #tpu.memory_space<hbm>>) dst(%arg10 : memref<80x128xf32, #tpu.memory_space<vmem>>)
      %dma_wait3A_28 = arith.constant 0 : i32
      %dma_wait3A_29 = tpu.memref_slice %arg9[%scan3A_6, %dma_wait3A_28] : memref<25x80xi32, #tpu.memory_space<vmem>> -> memref<1x80xi32, #tpu.memory_space<vmem>>
      %dma_wait3A_30 = tpu.memref_squeeze %dma_wait3A_29 : memref<1x80xi32, #tpu.memory_space<vmem>> -> memref<80xi32, #tpu.memory_space<vmem>>
      %dma_wait3A_31 = arith.constant 0 : i32
      %dma_wait3A_32 = arith.constant 0 : i32
      %dma_wait3A_33 = tpu.memref_slice %arg3[%dma_wait3A_31, %dma_wait3A_32] : memref<320000x16xf32, #tpu.memory_space<hbm>> -> memref<320000x16xf32, #tpu.memory_space<hbm>>
      tpu.wait_indirect_dma semaphore(%arg15 : memref<!tpu.dma_semaphore, #tpu.memory_space<semaphore_mem>>) src(%dma_wait3A_33 : memref<320000x16xf32, #tpu.memory_space<hbm>>) dst(%arg12 : memref<80x16xf32, #tpu.memory_space<vmem>>)
      "tpu.region"() ({
        %run_scoped3A = tpu.sem_alloc : memref<!tpu.dma_semaphore, #tpu.memory_space<semaphore_mem>>
        %dma_start3A_34 = arith.constant 0 : i32
        %dma_start3A_35 = tpu.memref_slice %arg6[%add3A_11, %dma_start3A_34] : memref<64000x128xf32, #tpu.memory_space<hbm>> -> memref<80x128xf32, #tpu.memory_space<hbm>>
        %dma_start3A_36 = arith.constant 0 : i32
        %dma_start3A_37 = tpu.memref_slice %arg6[%add3A_11, %dma_start3A_36] : memref<64000x128xf32, #tpu.memory_space<hbm>> -> memref<80x128xf32, #tpu.memory_space<hbm>>
        tpu.enqueue_dma source(%arg10 : memref<80x128xf32, #tpu.memory_space<vmem>>) target(%dma_start3A_37 : memref<80x128xf32, #tpu.memory_space<hbm>>) target_semaphore(%run_scoped3A : memref<!tpu.dma_semaphore, #tpu.memory_space<semaphore_mem>>)
        %dma_wait3A_38 = arith.constant 0 : i32
        %dma_wait3A_39 = tpu.memref_slice %arg6[%add3A_11, %dma_wait3A_38] : memref<64000x128xf32, #tpu.memory_space<hbm>> -> memref<80x128xf32, #tpu.memory_space<hbm>>
        %dma_wait3A_40 = arith.constant 0 : i32
        %dma_wait3A_41 = tpu.memref_slice %arg6[%add3A_11, %dma_wait3A_40] : memref<64000x128xf32, #tpu.memory_space<hbm>> -> memref<80x128xf32, #tpu.memory_space<hbm>>
        tpu.wait_dma2 semaphore(%run_scoped3A : memref<!tpu.dma_semaphore, #tpu.memory_space<semaphore_mem>>) src(%arg10 : memref<80x128xf32, #tpu.memory_space<vmem>>) dst(%dma_wait3A_41 : memref<80x128xf32, #tpu.memory_space<hbm>>)
        tpu.yield
      }) : () -> ()
      "tpu.region"() ({
        %run_scoped3A = tpu.sem_alloc : memref<!tpu.dma_semaphore, #tpu.memory_space<semaphore_mem>>
        %dma_start3A_34 = arith.constant 0 : i32
        %dma_start3A_35 = tpu.memref_slice %arg7[%add3A_11, %dma_start3A_34] : memref<64000x16xf32, #tpu.memory_space<hbm>> -> memref<80x16xf32, #tpu.memory_space<hbm>>
        %dma_start3A_36 = arith.constant 0 : i32
        %dma_start3A_37 = tpu.memref_slice %arg7[%add3A_11, %dma_start3A_36] : memref<64000x16xf32, #tpu.memory_space<hbm>> -> memref<80x16xf32, #tpu.memory_space<hbm>>
        tpu.enqueue_dma source(%arg12 : memref<80x16xf32, #tpu.memory_space<vmem>>) target(%dma_start3A_37 : memref<80x16xf32, #tpu.memory_space<hbm>>) target_semaphore(%run_scoped3A : memref<!tpu.dma_semaphore, #tpu.memory_space<semaphore_mem>>)
        %dma_wait3A_38 = arith.constant 0 : i32
        %dma_wait3A_39 = tpu.memref_slice %arg7[%add3A_11, %dma_wait3A_38] : memref<64000x16xf32, #tpu.memory_space<hbm>> -> memref<80x16xf32, #tpu.memory_space<hbm>>
        %dma_wait3A_40 = arith.constant 0 : i32
        %dma_wait3A_41 = tpu.memref_slice %arg7[%add3A_11, %dma_wait3A_40] : memref<64000x16xf32, #tpu.memory_space<hbm>> -> memref<80x16xf32, #tpu.memory_space<hbm>>
        tpu.wait_dma2 semaphore(%run_scoped3A : memref<!tpu.dma_semaphore, #tpu.memory_space<semaphore_mem>>) src(%arg12 : memref<80x16xf32, #tpu.memory_space<vmem>>) dst(%dma_wait3A_41 : memref<80x16xf32, #tpu.memory_space<hbm>>)
        tpu.yield
      }) : () -> ()
    }
    %scan3A_5 = arith.constant 25 : i32
    return
  }
}

#map = affine_map<(d0, d1) -> (0, 0)>
#map1 = affine_map<(d0, d1) -> (0, 0, 0)>
module attributes {stable_mosaic.version = 14 : i64} {
  func.func @_gather_body(%arg0: i32, %arg1: i32, %arg2: memref<10000x128xf32, #tpu.memory_space<hbm>>, %arg3: memref<320000x16xf32, #tpu.memory_space<hbm>>, %arg4: memref<32x25x80xi32, #tpu.memory_space<hbm>>, %arg5: memref<32x25x80xi32, #tpu.memory_space<hbm>>, %arg6: memref<64000x128xf32, #tpu.memory_space<hbm>>, %arg7: memref<64000x16xf32, #tpu.memory_space<hbm>>, %arg8: memref<25x80xi32, #tpu.memory_space<vmem>>, %arg9: memref<25x80xi32, #tpu.memory_space<vmem>>, %arg10: memref<80x128xf32, #tpu.memory_space<vmem>>, %arg11: memref<80x128xf32, #tpu.memory_space<vmem>>, %arg12: memref<80x16xf32, #tpu.memory_space<vmem>>, %arg13: memref<80x16xf32, #tpu.memory_space<vmem>>, %arg14: memref<!tpu.dma_semaphore, #tpu.memory_space<semaphore_mem>>, %arg15: memref<!tpu.dma_semaphore, #tpu.memory_space<semaphore_mem>>, %arg16: memref<!tpu.dma_semaphore, #tpu.memory_space<semaphore_mem>>, %arg17: memref<!tpu.dma_semaphore, #tpu.memory_space<semaphore_mem>>) attributes {dimension_semantics = [#tpu.dimension_semantics<core_parallel>, #tpu.dimension_semantics<subcore_parallel>], iteration_bounds = array<i64: 2, 16>, scalar_prefetch = 0 : i64, scratch_operands = 10 : i64, tpu.core_type = #tpu.core_type<sc_vector_subcore>, window_params = [{transform_indices = #map}, {transform_indices = #map}, {transform_indices = #map1}, {transform_indices = #map1}, {transform_indices = #map}, {transform_indices = #map}]} {
    %mul3A = arith.constant 2 : i32
    %mul3A_0 = arith.muli %arg1, %mul3A : i32
    %add3A = arith.addi %mul3A_0, %arg0 : i32
    "tpu.region"() ({
      %run_scoped3A = tpu.sem_alloc : memref<!tpu.dma_semaphore, #tpu.memory_space<semaphore_mem>>
      %dma_start3A = arith.constant 0 : i32
      %dma_start3A_6 = arith.constant 0 : i32
      %dma_start3A_7 = tpu.memref_slice %arg4[%add3A, %dma_start3A, %dma_start3A_6] : memref<32x25x80xi32, #tpu.memory_space<hbm>> -> memref<1x25x80xi32, #tpu.memory_space<hbm>>
      %dma_start3A_8 = tpu.memref_squeeze %dma_start3A_7 : memref<1x25x80xi32, #tpu.memory_space<hbm>> -> memref<25x80xi32, #tpu.memory_space<hbm>>
      %dma_start3A_9 = arith.constant 0 : i32
      %dma_start3A_10 = arith.constant 0 : i32
      %dma_start3A_11 = tpu.memref_slice %arg4[%add3A, %dma_start3A_9, %dma_start3A_10] : memref<32x25x80xi32, #tpu.memory_space<hbm>> -> memref<1x25x80xi32, #tpu.memory_space<hbm>>
      %dma_start3A_12 = tpu.memref_squeeze %dma_start3A_11 : memref<1x25x80xi32, #tpu.memory_space<hbm>> -> memref<25x80xi32, #tpu.memory_space<hbm>>
      tpu.enqueue_dma source(%dma_start3A_12 : memref<25x80xi32, #tpu.memory_space<hbm>>) target(%arg8 : memref<25x80xi32, #tpu.memory_space<vmem>>) target_semaphore(%run_scoped3A : memref<!tpu.dma_semaphore, #tpu.memory_space<semaphore_mem>>)
      %dma_wait3A = arith.constant 0 : i32
      %dma_wait3A_13 = arith.constant 0 : i32
      %dma_wait3A_14 = tpu.memref_slice %arg4[%add3A, %dma_wait3A, %dma_wait3A_13] : memref<32x25x80xi32, #tpu.memory_space<hbm>> -> memref<1x25x80xi32, #tpu.memory_space<hbm>>
      %dma_wait3A_15 = tpu.memref_squeeze %dma_wait3A_14 : memref<1x25x80xi32, #tpu.memory_space<hbm>> -> memref<25x80xi32, #tpu.memory_space<hbm>>
      %dma_wait3A_16 = arith.constant 0 : i32
      %dma_wait3A_17 = arith.constant 0 : i32
      %dma_wait3A_18 = tpu.memref_slice %arg4[%add3A, %dma_wait3A_16, %dma_wait3A_17] : memref<32x25x80xi32, #tpu.memory_space<hbm>> -> memref<1x25x80xi32, #tpu.memory_space<hbm>>
      %dma_wait3A_19 = tpu.memref_squeeze %dma_wait3A_18 : memref<1x25x80xi32, #tpu.memory_space<hbm>> -> memref<25x80xi32, #tpu.memory_space<hbm>>
      tpu.wait_dma2 semaphore(%run_scoped3A : memref<!tpu.dma_semaphore, #tpu.memory_space<semaphore_mem>>) src(%dma_wait3A_19 : memref<25x80xi32, #tpu.memory_space<hbm>>) dst(%arg8 : memref<25x80xi32, #tpu.memory_space<vmem>>)
      tpu.yield
    }) : () -> ()
    "tpu.region"() ({
      %run_scoped3A = tpu.sem_alloc : memref<!tpu.dma_semaphore, #tpu.memory_space<semaphore_mem>>
      %dma_start3A = arith.constant 0 : i32
      %dma_start3A_6 = arith.constant 0 : i32
      %dma_start3A_7 = tpu.memref_slice %arg5[%add3A, %dma_start3A, %dma_start3A_6] : memref<32x25x80xi32, #tpu.memory_space<hbm>> -> memref<1x25x80xi32, #tpu.memory_space<hbm>>
      %dma_start3A_8 = tpu.memref_squeeze %dma_start3A_7 : memref<1x25x80xi32, #tpu.memory_space<hbm>> -> memref<25x80xi32, #tpu.memory_space<hbm>>
      %dma_start3A_9 = arith.constant 0 : i32
      %dma_start3A_10 = arith.constant 0 : i32
      %dma_start3A_11 = tpu.memref_slice %arg5[%add3A, %dma_start3A_9, %dma_start3A_10] : memref<32x25x80xi32, #tpu.memory_space<hbm>> -> memref<1x25x80xi32, #tpu.memory_space<hbm>>
      %dma_start3A_12 = tpu.memref_squeeze %dma_start3A_11 : memref<1x25x80xi32, #tpu.memory_space<hbm>> -> memref<25x80xi32, #tpu.memory_space<hbm>>
      tpu.enqueue_dma source(%dma_start3A_12 : memref<25x80xi32, #tpu.memory_space<hbm>>) target(%arg9 : memref<25x80xi32, #tpu.memory_space<vmem>>) target_semaphore(%run_scoped3A : memref<!tpu.dma_semaphore, #tpu.memory_space<semaphore_mem>>)
      %dma_wait3A = arith.constant 0 : i32
      %dma_wait3A_13 = arith.constant 0 : i32
      %dma_wait3A_14 = tpu.memref_slice %arg5[%add3A, %dma_wait3A, %dma_wait3A_13] : memref<32x25x80xi32, #tpu.memory_space<hbm>> -> memref<1x25x80xi32, #tpu.memory_space<hbm>>
      %dma_wait3A_15 = tpu.memref_squeeze %dma_wait3A_14 : memref<1x25x80xi32, #tpu.memory_space<hbm>> -> memref<25x80xi32, #tpu.memory_space<hbm>>
      %dma_wait3A_16 = arith.constant 0 : i32
      %dma_wait3A_17 = arith.constant 0 : i32
      %dma_wait3A_18 = tpu.memref_slice %arg5[%add3A, %dma_wait3A_16, %dma_wait3A_17] : memref<32x25x80xi32, #tpu.memory_space<hbm>> -> memref<1x25x80xi32, #tpu.memory_space<hbm>>
      %dma_wait3A_19 = tpu.memref_squeeze %dma_wait3A_18 : memref<1x25x80xi32, #tpu.memory_space<hbm>> -> memref<25x80xi32, #tpu.memory_space<hbm>>
      tpu.wait_dma2 semaphore(%run_scoped3A : memref<!tpu.dma_semaphore, #tpu.memory_space<semaphore_mem>>) src(%dma_wait3A_19 : memref<25x80xi32, #tpu.memory_space<hbm>>) dst(%arg9 : memref<25x80xi32, #tpu.memory_space<vmem>>)
      tpu.yield
    }) : () -> ()
    %scan3A = arith.constant 0 : i32
    %scan3A_1 = arith.constant 0 : i32
    %scan3A_2 = arith.constant 25 : i32
    %scan3A_3 = arith.addi %scan3A_1, %scan3A_2 : i32
    %scan3A_4 = arith.constant 1 : i32
    scf.for %scan3A_6 = %scan3A_1 to %scan3A_3 step %scan3A_4  : i32 {
      %mul3A_7 = arith.constant 2000 : i32
      %mul3A_8 = arith.muli %add3A, %mul3A_7 : i32
      %mul3A_9 = arith.constant 80 : i32
      %mul3A_10 = arith.muli %scan3A_6, %mul3A_9 : i32
      %add3A_11 = arith.addi %mul3A_8, %mul3A_10 : i32
      %dma_start3A = arith.constant 0 : i32
      %dma_start3A_12 = tpu.memref_slice %arg8[%scan3A_6, %dma_start3A] : memref<25x80xi32, #tpu.memory_space<vmem>> -> memref<1x80xi32, #tpu.memory_space<vmem>>
      %dma_start3A_13 = tpu.memref_squeeze %dma_start3A_12 : memref<1x80xi32, #tpu.memory_space<vmem>> -> memref<80xi32, #tpu.memory_space<vmem>>
      %dma_start3A_14 = arith.constant 0 : i32
      %dma_start3A_15 = arith.constant 0 : i32
      %dma_start3A_16 = tpu.memref_slice %arg2[%dma_start3A_14, %dma_start3A_15] : memref<10000x128xf32, #tpu.memory_space<hbm>> -> memref<10000x128xf32, #tpu.memory_space<hbm>>
      tpu.enqueue_indirect_dma source(%dma_start3A_16 : memref<10000x128xf32, #tpu.memory_space<hbm>>) target(%arg10 : memref<80x128xf32, #tpu.memory_space<vmem>>) offsets(%dma_start3A_13 : memref<80xi32, #tpu.memory_space<vmem>>) semaphore(%arg14 : memref<!tpu.dma_semaphore, #tpu.memory_space<semaphore_mem>>)
      %dma_start3A_17 = arith.constant 0 : i32
      %dma_start3A_18 = tpu.memref_slice %arg9[%scan3A_6, %dma_start3A_17] : memref<25x80xi32, #tpu.memory_space<vmem>> -> memref<1x80xi32, #tpu.memory_space<vmem>>
      %dma_start3A_19 = tpu.memref_squeeze %dma_start3A_18 : memref<1x80xi32, #tpu.memory_space<vmem>> -> memref<80xi32, #tpu.memory_space<vmem>>
      %dma_start3A_20 = arith.constant 0 : i32
      %dma_start3A_21 = arith.constant 0 : i32
      %dma_start3A_22 = tpu.memref_slice %arg3[%dma_start3A_20, %dma_start3A_21] : memref<320000x16xf32, #tpu.memory_space<hbm>> -> memref<320000x16xf32, #tpu.memory_space<hbm>>
      tpu.enqueue_indirect_dma source(%dma_start3A_22 : memref<320000x16xf32, #tpu.memory_space<hbm>>) target(%arg12 : memref<80x16xf32, #tpu.memory_space<vmem>>) offsets(%dma_start3A_19 : memref<80xi32, #tpu.memory_space<vmem>>) semaphore(%arg15 : memref<!tpu.dma_semaphore, #tpu.memory_space<semaphore_mem>>)
      %dma_wait3A = arith.constant 0 : i32
      %dma_wait3A_23 = tpu.memref_slice %arg8[%scan3A_6, %dma_wait3A] : memref<25x80xi32, #tpu.memory_space<vmem>> -> memref<1x80xi32, #tpu.memory_space<vmem>>
      %dma_wait3A_24 = tpu.memref_squeeze %dma_wait3A_23 : memref<1x80xi32, #tpu.memory_space<vmem>> -> memref<80xi32, #tpu.memory_space<vmem>>
      %dma_wait3A_25 = arith.constant 0 : i32
      %dma_wait3A_26 = arith.constant 0 : i32
      %dma_wait3A_27 = tpu.memref_slice %arg2[%dma_wait3A_25, %dma_wait3A_26] : memref<10000x128xf32, #tpu.memory_space<hbm>> -> memref<10000x128xf32, #tpu.memory_space<hbm>>
      tpu.wait_indirect_dma semaphore(%arg14 : memref<!tpu.dma_semaphore, #tpu.memory_space<semaphore_mem>>) src(%dma_wait3A_27 : memref<10000x128xf32, #tpu.memory_space<hbm>>) dst(%arg10 : memref<80x128xf32, #tpu.memory_space<vmem>>)
      %dma_wait3A_28 = arith.constant 0 : i32
      %dma_wait3A_29 = tpu.memref_slice %arg9[%scan3A_6, %dma_wait3A_28] : memref<25x80xi32, #tpu.memory_space<vmem>> -> memref<1x80xi32, #tpu.memory_space<vmem>>
      %dma_wait3A_30 = tpu.memref_squeeze %dma_wait3A_29 : memref<1x80xi32, #tpu.memory_space<vmem>> -> memref<80xi32, #tpu.memory_space<vmem>>
      %dma_wait3A_31 = arith.constant 0 : i32
      %dma_wait3A_32 = arith.constant 0 : i32
      %dma_wait3A_33 = tpu.memref_slice %arg3[%dma_wait3A_31, %dma_wait3A_32] : memref<320000x16xf32, #tpu.memory_space<hbm>> -> memref<320000x16xf32, #tpu.memory_space<hbm>>
      tpu.wait_indirect_dma semaphore(%arg15 : memref<!tpu.dma_semaphore, #tpu.memory_space<semaphore_mem>>) src(%dma_wait3A_33 : memref<320000x16xf32, #tpu.memory_space<hbm>>) dst(%arg12 : memref<80x16xf32, #tpu.memory_space<vmem>>)
      "tpu.region"() ({
        %run_scoped3A = tpu.sem_alloc : memref<!tpu.dma_semaphore, #tpu.memory_space<semaphore_mem>>
        %dma_start3A_34 = arith.constant 0 : i32
        %dma_start3A_35 = tpu.memref_slice %arg6[%add3A_11, %dma_start3A_34] : memref<64000x128xf32, #tpu.memory_space<hbm>> -> memref<80x128xf32, #tpu.memory_space<hbm>>
        %dma_start3A_36 = arith.constant 0 : i32
        %dma_start3A_37 = tpu.memref_slice %arg6[%add3A_11, %dma_start3A_36] : memref<64000x128xf32, #tpu.memory_space<hbm>> -> memref<80x128xf32, #tpu.memory_space<hbm>>
        tpu.enqueue_dma source(%arg10 : memref<80x128xf32, #tpu.memory_space<vmem>>) target(%dma_start3A_37 : memref<80x128xf32, #tpu.memory_space<hbm>>) target_semaphore(%run_scoped3A : memref<!tpu.dma_semaphore, #tpu.memory_space<semaphore_mem>>)
        %dma_wait3A_38 = arith.constant 0 : i32
        %dma_wait3A_39 = tpu.memref_slice %arg6[%add3A_11, %dma_wait3A_38] : memref<64000x128xf32, #tpu.memory_space<hbm>> -> memref<80x128xf32, #tpu.memory_space<hbm>>
        %dma_wait3A_40 = arith.constant 0 : i32
        %dma_wait3A_41 = tpu.memref_slice %arg6[%add3A_11, %dma_wait3A_40] : memref<64000x128xf32, #tpu.memory_space<hbm>> -> memref<80x128xf32, #tpu.memory_space<hbm>>
        tpu.wait_dma2 semaphore(%run_scoped3A : memref<!tpu.dma_semaphore, #tpu.memory_space<semaphore_mem>>) src(%arg10 : memref<80x128xf32, #tpu.memory_space<vmem>>) dst(%dma_wait3A_41 : memref<80x128xf32, #tpu.memory_space<hbm>>)
        tpu.yield
      }) : () -> ()
      "tpu.region"() ({
        %run_scoped3A = tpu.sem_alloc : memref<!tpu.dma_semaphore, #tpu.memory_space<semaphore_mem>>
        %dma_start3A_34 = arith.constant 0 : i32
        %dma_start3A_35 = tpu.memref_slice %arg7[%add3A_11, %dma_start3A_34] : memref<64000x16xf32, #tpu.memory_space<hbm>> -> memref<80x16xf32, #tpu.memory_space<hbm>>
        %dma_start3A_36 = arith.constant 0 : i32
        %dma_start3A_37 = tpu.memref_slice %arg7[%add3A_11, %dma_start3A_36] : memref<64000x16xf32, #tpu.memory_space<hbm>> -> memref<80x16xf32, #tpu.memory_space<hbm>>
        tpu.enqueue_dma source(%arg12 : memref<80x16xf32, #tpu.memory_space<vmem>>) target(%dma_start3A_37 : memref<80x16xf32, #tpu.memory_space<hbm>>) target_semaphore(%run_scoped3A : memref<!tpu.dma_semaphore, #tpu.memory_space<semaphore_mem>>)
        %dma_wait3A_38 = arith.constant 0 : i32
        %dma_wait3A_39 = tpu.memref_slice %arg7[%add3A_11, %dma_wait3A_38] : memref<64000x16xf32, #tpu.memory_space<hbm>> -> memref<80x16xf32, #tpu.memory_space<hbm>>
        %dma_wait3A_40 = arith.constant 0 : i32
        %dma_wait3A_41 = tpu.memref_slice %arg7[%add3A_11, %dma_wait3A_40] : memref<64000x16xf32, #tpu.memory_space<hbm>> -> memref<80x16xf32, #tpu.memory_space<hbm>>
        tpu.wait_dma2 semaphore(%run_scoped3A : memref<!tpu.dma_semaphore, #tpu.memory_space<semaphore_mem>>) src(%arg12 : memref<80x16xf32, #tpu.memory_space<vmem>>) dst(%dma_wait3A_41 : memref<80x16xf32, #tpu.memory_space<hbm>>)
        tpu.yield
      }) : () -> ()
    }
    %scan3A_5 = arith.constant 25 : i32
    return
  }
}

#map = affine_map<(d0, d1) -> (0, 0)>
#map1 = affine_map<(d0, d1) -> (0, 0, 0)>
module attributes {stable_mosaic.version = 14 : i64} {
  func.func @_gather_body(%arg0: i32, %arg1: i32, %arg2: memref<10000x128xf32, #tpu.memory_space<hbm>>, %arg3: memref<320000x16xf32, #tpu.memory_space<hbm>>, %arg4: memref<32x25x80xi32, #tpu.memory_space<hbm>>, %arg5: memref<32x25x80xi32, #tpu.memory_space<hbm>>, %arg6: memref<64000x128xf32, #tpu.memory_space<hbm>>, %arg7: memref<64000x16xf32, #tpu.memory_space<hbm>>, %arg8: memref<25x80xi32, #tpu.memory_space<vmem>>, %arg9: memref<25x80xi32, #tpu.memory_space<vmem>>, %arg10: memref<80x128xf32, #tpu.memory_space<vmem>>, %arg11: memref<80x128xf32, #tpu.memory_space<vmem>>, %arg12: memref<80x16xf32, #tpu.memory_space<vmem>>, %arg13: memref<80x16xf32, #tpu.memory_space<vmem>>, %arg14: memref<!tpu.dma_semaphore, #tpu.memory_space<semaphore_mem>>, %arg15: memref<!tpu.dma_semaphore, #tpu.memory_space<semaphore_mem>>, %arg16: memref<!tpu.dma_semaphore, #tpu.memory_space<semaphore_mem>>, %arg17: memref<!tpu.dma_semaphore, #tpu.memory_space<semaphore_mem>>) attributes {dimension_semantics = [#tpu.dimension_semantics<core_parallel>, #tpu.dimension_semantics<subcore_parallel>], iteration_bounds = array<i64: 2, 16>, scalar_prefetch = 0 : i64, scratch_operands = 10 : i64, tpu.core_type = #tpu.core_type<sc_vector_subcore>, window_params = [{transform_indices = #map}, {transform_indices = #map}, {transform_indices = #map1}, {transform_indices = #map1}, {transform_indices = #map}, {transform_indices = #map}]} {
    %mul3A = arith.constant 2 : i32
    %mul3A_0 = arith.muli %arg1, %mul3A : i32
    %add3A = arith.addi %mul3A_0, %arg0 : i32
    "tpu.region"() ({
      %run_scoped3A = tpu.sem_alloc : memref<!tpu.dma_semaphore, #tpu.memory_space<semaphore_mem>>
      %dma_start3A = arith.constant 0 : i32
      %dma_start3A_6 = arith.constant 0 : i32
      %dma_start3A_7 = tpu.memref_slice %arg4[%add3A, %dma_start3A, %dma_start3A_6] : memref<32x25x80xi32, #tpu.memory_space<hbm>> -> memref<1x25x80xi32, #tpu.memory_space<hbm>>
      %dma_start3A_8 = tpu.memref_squeeze %dma_start3A_7 : memref<1x25x80xi32, #tpu.memory_space<hbm>> -> memref<25x80xi32, #tpu.memory_space<hbm>>
      %dma_start3A_9 = arith.constant 0 : i32
      %dma_start3A_10 = arith.constant 0 : i32
      %dma_start3A_11 = tpu.memref_slice %arg4[%add3A, %dma_start3A_9, %dma_start3A_10] : memref<32x25x80xi32, #tpu.memory_space<hbm>> -> memref<1x25x80xi32, #tpu.memory_space<hbm>>
      %dma_start3A_12 = tpu.memref_squeeze %dma_start3A_11 : memref<1x25x80xi32, #tpu.memory_space<hbm>> -> memref<25x80xi32, #tpu.memory_space<hbm>>
      tpu.enqueue_dma source(%dma_start3A_12 : memref<25x80xi32, #tpu.memory_space<hbm>>) target(%arg8 : memref<25x80xi32, #tpu.memory_space<vmem>>) target_semaphore(%run_scoped3A : memref<!tpu.dma_semaphore, #tpu.memory_space<semaphore_mem>>)
      %dma_wait3A = arith.constant 0 : i32
      %dma_wait3A_13 = arith.constant 0 : i32
      %dma_wait3A_14 = tpu.memref_slice %arg4[%add3A, %dma_wait3A, %dma_wait3A_13] : memref<32x25x80xi32, #tpu.memory_space<hbm>> -> memref<1x25x80xi32, #tpu.memory_space<hbm>>
      %dma_wait3A_15 = tpu.memref_squeeze %dma_wait3A_14 : memref<1x25x80xi32, #tpu.memory_space<hbm>> -> memref<25x80xi32, #tpu.memory_space<hbm>>
      %dma_wait3A_16 = arith.constant 0 : i32
      %dma_wait3A_17 = arith.constant 0 : i32
      %dma_wait3A_18 = tpu.memref_slice %arg4[%add3A, %dma_wait3A_16, %dma_wait3A_17] : memref<32x25x80xi32, #tpu.memory_space<hbm>> -> memref<1x25x80xi32, #tpu.memory_space<hbm>>
      %dma_wait3A_19 = tpu.memref_squeeze %dma_wait3A_18 : memref<1x25x80xi32, #tpu.memory_space<hbm>> -> memref<25x80xi32, #tpu.memory_space<hbm>>
      tpu.wait_dma2 semaphore(%run_scoped3A : memref<!tpu.dma_semaphore, #tpu.memory_space<semaphore_mem>>) src(%dma_wait3A_19 : memref<25x80xi32, #tpu.memory_space<hbm>>) dst(%arg8 : memref<25x80xi32, #tpu.memory_space<vmem>>)
      tpu.yield
    }) : () -> ()
    "tpu.region"() ({
      %run_scoped3A = tpu.sem_alloc : memref<!tpu.dma_semaphore, #tpu.memory_space<semaphore_mem>>
      %dma_start3A = arith.constant 0 : i32
      %dma_start3A_6 = arith.constant 0 : i32
      %dma_start3A_7 = tpu.memref_slice %arg5[%add3A, %dma_start3A, %dma_start3A_6] : memref<32x25x80xi32, #tpu.memory_space<hbm>> -> memref<1x25x80xi32, #tpu.memory_space<hbm>>
      %dma_start3A_8 = tpu.memref_squeeze %dma_start3A_7 : memref<1x25x80xi32, #tpu.memory_space<hbm>> -> memref<25x80xi32, #tpu.memory_space<hbm>>
      %dma_start3A_9 = arith.constant 0 : i32
      %dma_start3A_10 = arith.constant 0 : i32
      %dma_start3A_11 = tpu.memref_slice %arg5[%add3A, %dma_start3A_9, %dma_start3A_10] : memref<32x25x80xi32, #tpu.memory_space<hbm>> -> memref<1x25x80xi32, #tpu.memory_space<hbm>>
      %dma_start3A_12 = tpu.memref_squeeze %dma_start3A_11 : memref<1x25x80xi32, #tpu.memory_space<hbm>> -> memref<25x80xi32, #tpu.memory_space<hbm>>
      tpu.enqueue_dma source(%dma_start3A_12 : memref<25x80xi32, #tpu.memory_space<hbm>>) target(%arg9 : memref<25x80xi32, #tpu.memory_space<vmem>>) target_semaphore(%run_scoped3A : memref<!tpu.dma_semaphore, #tpu.memory_space<semaphore_mem>>)
      %dma_wait3A = arith.constant 0 : i32
      %dma_wait3A_13 = arith.constant 0 : i32
      %dma_wait3A_14 = tpu.memref_slice %arg5[%add3A, %dma_wait3A, %dma_wait3A_13] : memref<32x25x80xi32, #tpu.memory_space<hbm>> -> memref<1x25x80xi32, #tpu.memory_space<hbm>>
      %dma_wait3A_15 = tpu.memref_squeeze %dma_wait3A_14 : memref<1x25x80xi32, #tpu.memory_space<hbm>> -> memref<25x80xi32, #tpu.memory_space<hbm>>
      %dma_wait3A_16 = arith.constant 0 : i32
      %dma_wait3A_17 = arith.constant 0 : i32
      %dma_wait3A_18 = tpu.memref_slice %arg5[%add3A, %dma_wait3A_16, %dma_wait3A_17] : memref<32x25x80xi32, #tpu.memory_space<hbm>> -> memref<1x25x80xi32, #tpu.memory_space<hbm>>
      %dma_wait3A_19 = tpu.memref_squeeze %dma_wait3A_18 : memref<1x25x80xi32, #tpu.memory_space<hbm>> -> memref<25x80xi32, #tpu.memory_space<hbm>>
      tpu.wait_dma2 semaphore(%run_scoped3A : memref<!tpu.dma_semaphore, #tpu.memory_space<semaphore_mem>>) src(%dma_wait3A_19 : memref<25x80xi32, #tpu.memory_space<hbm>>) dst(%arg9 : memref<25x80xi32, #tpu.memory_space<vmem>>)
      tpu.yield
    }) : () -> ()
    %scan3A = arith.constant 0 : i32
    %scan3A_1 = arith.constant 0 : i32
    %scan3A_2 = arith.constant 25 : i32
    %scan3A_3 = arith.addi %scan3A_1, %scan3A_2 : i32
    %scan3A_4 = arith.constant 1 : i32
    scf.for %scan3A_6 = %scan3A_1 to %scan3A_3 step %scan3A_4  : i32 {
      %mul3A_7 = arith.constant 2000 : i32
      %mul3A_8 = arith.muli %add3A, %mul3A_7 : i32
      %mul3A_9 = arith.constant 80 : i32
      %mul3A_10 = arith.muli %scan3A_6, %mul3A_9 : i32
      %add3A_11 = arith.addi %mul3A_8, %mul3A_10 : i32
      %dma_start3A = arith.constant 0 : i32
      %dma_start3A_12 = tpu.memref_slice %arg8[%scan3A_6, %dma_start3A] : memref<25x80xi32, #tpu.memory_space<vmem>> -> memref<1x80xi32, #tpu.memory_space<vmem>>
      %dma_start3A_13 = tpu.memref_squeeze %dma_start3A_12 : memref<1x80xi32, #tpu.memory_space<vmem>> -> memref<80xi32, #tpu.memory_space<vmem>>
      %dma_start3A_14 = arith.constant 0 : i32
      %dma_start3A_15 = arith.constant 0 : i32
      %dma_start3A_16 = tpu.memref_slice %arg2[%dma_start3A_14, %dma_start3A_15] : memref<10000x128xf32, #tpu.memory_space<hbm>> -> memref<10000x128xf32, #tpu.memory_space<hbm>>
      tpu.enqueue_indirect_dma source(%dma_start3A_16 : memref<10000x128xf32, #tpu.memory_space<hbm>>) target(%arg10 : memref<80x128xf32, #tpu.memory_space<vmem>>) offsets(%dma_start3A_13 : memref<80xi32, #tpu.memory_space<vmem>>) semaphore(%arg14 : memref<!tpu.dma_semaphore, #tpu.memory_space<semaphore_mem>>)
      %dma_start3A_17 = arith.constant 0 : i32
      %dma_start3A_18 = tpu.memref_slice %arg9[%scan3A_6, %dma_start3A_17] : memref<25x80xi32, #tpu.memory_space<vmem>> -> memref<1x80xi32, #tpu.memory_space<vmem>>
      %dma_start3A_19 = tpu.memref_squeeze %dma_start3A_18 : memref<1x80xi32, #tpu.memory_space<vmem>> -> memref<80xi32, #tpu.memory_space<vmem>>
      %dma_start3A_20 = arith.constant 0 : i32
      %dma_start3A_21 = arith.constant 0 : i32
      %dma_start3A_22 = tpu.memref_slice %arg3[%dma_start3A_20, %dma_start3A_21] : memref<320000x16xf32, #tpu.memory_space<hbm>> -> memref<320000x16xf32, #tpu.memory_space<hbm>>
      tpu.enqueue_indirect_dma source(%dma_start3A_22 : memref<320000x16xf32, #tpu.memory_space<hbm>>) target(%arg12 : memref<80x16xf32, #tpu.memory_space<vmem>>) offsets(%dma_start3A_19 : memref<80xi32, #tpu.memory_space<vmem>>) semaphore(%arg15 : memref<!tpu.dma_semaphore, #tpu.memory_space<semaphore_mem>>)
      %dma_wait3A = arith.constant 0 : i32
      %dma_wait3A_23 = tpu.memref_slice %arg8[%scan3A_6, %dma_wait3A] : memref<25x80xi32, #tpu.memory_space<vmem>> -> memref<1x80xi32, #tpu.memory_space<vmem>>
      %dma_wait3A_24 = tpu.memref_squeeze %dma_wait3A_23 : memref<1x80xi32, #tpu.memory_space<vmem>> -> memref<80xi32, #tpu.memory_space<vmem>>
      %dma_wait3A_25 = arith.constant 0 : i32
      %dma_wait3A_26 = arith.constant 0 : i32
      %dma_wait3A_27 = tpu.memref_slice %arg2[%dma_wait3A_25, %dma_wait3A_26] : memref<10000x128xf32, #tpu.memory_space<hbm>> -> memref<10000x128xf32, #tpu.memory_space<hbm>>
      tpu.wait_indirect_dma semaphore(%arg14 : memref<!tpu.dma_semaphore, #tpu.memory_space<semaphore_mem>>) src(%dma_wait3A_27 : memref<10000x128xf32, #tpu.memory_space<hbm>>) dst(%arg10 : memref<80x128xf32, #tpu.memory_space<vmem>>)
      %dma_wait3A_28 = arith.constant 0 : i32
      %dma_wait3A_29 = tpu.memref_slice %arg9[%scan3A_6, %dma_wait3A_28] : memref<25x80xi32, #tpu.memory_space<vmem>> -> memref<1x80xi32, #tpu.memory_space<vmem>>
      %dma_wait3A_30 = tpu.memref_squeeze %dma_wait3A_29 : memref<1x80xi32, #tpu.memory_space<vmem>> -> memref<80xi32, #tpu.memory_space<vmem>>
      %dma_wait3A_31 = arith.constant 0 : i32
      %dma_wait3A_32 = arith.constant 0 : i32
      %dma_wait3A_33 = tpu.memref_slice %arg3[%dma_wait3A_31, %dma_wait3A_32] : memref<320000x16xf32, #tpu.memory_space<hbm>> -> memref<320000x16xf32, #tpu.memory_space<hbm>>
      tpu.wait_indirect_dma semaphore(%arg15 : memref<!tpu.dma_semaphore, #tpu.memory_space<semaphore_mem>>) src(%dma_wait3A_33 : memref<320000x16xf32, #tpu.memory_space<hbm>>) dst(%arg12 : memref<80x16xf32, #tpu.memory_space<vmem>>)
      "tpu.region"() ({
        %run_scoped3A = tpu.sem_alloc : memref<!tpu.dma_semaphore, #tpu.memory_space<semaphore_mem>>
        %dma_start3A_34 = arith.constant 0 : i32
        %dma_start3A_35 = tpu.memref_slice %arg6[%add3A_11, %dma_start3A_34] : memref<64000x128xf32, #tpu.memory_space<hbm>> -> memref<80x128xf32, #tpu.memory_space<hbm>>
        %dma_start3A_36 = arith.constant 0 : i32
        %dma_start3A_37 = tpu.memref_slice %arg6[%add3A_11, %dma_start3A_36] : memref<64000x128xf32, #tpu.memory_space<hbm>> -> memref<80x128xf32, #tpu.memory_space<hbm>>
        tpu.enqueue_dma source(%arg10 : memref<80x128xf32, #tpu.memory_space<vmem>>) target(%dma_start3A_37 : memref<80x128xf32, #tpu.memory_space<hbm>>) target_semaphore(%run_scoped3A : memref<!tpu.dma_semaphore, #tpu.memory_space<semaphore_mem>>)
        %dma_wait3A_38 = arith.constant 0 : i32
        %dma_wait3A_39 = tpu.memref_slice %arg6[%add3A_11, %dma_wait3A_38] : memref<64000x128xf32, #tpu.memory_space<hbm>> -> memref<80x128xf32, #tpu.memory_space<hbm>>
        %dma_wait3A_40 = arith.constant 0 : i32
        %dma_wait3A_41 = tpu.memref_slice %arg6[%add3A_11, %dma_wait3A_40] : memref<64000x128xf32, #tpu.memory_space<hbm>> -> memref<80x128xf32, #tpu.memory_space<hbm>>
        tpu.wait_dma2 semaphore(%run_scoped3A : memref<!tpu.dma_semaphore, #tpu.memory_space<semaphore_mem>>) src(%arg10 : memref<80x128xf32, #tpu.memory_space<vmem>>) dst(%dma_wait3A_41 : memref<80x128xf32, #tpu.memory_space<hbm>>)
        tpu.yield
      }) : () -> ()
      "tpu.region"() ({
        %run_scoped3A = tpu.sem_alloc : memref<!tpu.dma_semaphore, #tpu.memory_space<semaphore_mem>>
        %dma_start3A_34 = arith.constant 0 : i32
        %dma_start3A_35 = tpu.memref_slice %arg7[%add3A_11, %dma_start3A_34] : memref<64000x16xf32, #tpu.memory_space<hbm>> -> memref<80x16xf32, #tpu.memory_space<hbm>>
        %dma_start3A_36 = arith.constant 0 : i32
        %dma_start3A_37 = tpu.memref_slice %arg7[%add3A_11, %dma_start3A_36] : memref<64000x16xf32, #tpu.memory_space<hbm>> -> memref<80x16xf32, #tpu.memory_space<hbm>>
        tpu.enqueue_dma source(%arg12 : memref<80x16xf32, #tpu.memory_space<vmem>>) target(%dma_start3A_37 : memref<80x16xf32, #tpu.memory_space<hbm>>) target_semaphore(%run_scoped3A : memref<!tpu.dma_semaphore, #tpu.memory_space<semaphore_mem>>)
        %dma_wait3A_38 = arith.constant 0 : i32
        %dma_wait3A_39 = tpu.memref_slice %arg7[%add3A_11, %dma_wait3A_38] : memref<64000x16xf32, #tpu.memory_space<hbm>> -> memref<80x16xf32, #tpu.memory_space<hbm>>
        %dma_wait3A_40 = arith.constant 0 : i32
        %dma_wait3A_41 = tpu.memref_slice %arg7[%add3A_11, %dma_wait3A_40] : memref<64000x16xf32, #tpu.memory_space<hbm>> -> memref<80x16xf32, #tpu.memory_space<hbm>>
        tpu.wait_dma2 semaphore(%run_scoped3A : memref<!tpu.dma_semaphore, #tpu.memory_space<semaphore_mem>>) src(%arg12 : memref<80x16xf32, #tpu.memory_space<vmem>>) dst(%dma_wait3A_41 : memref<80x16xf32, #tpu.memory_space<hbm>>)
        tpu.yield
      }) : () -> ()
    }
    %scan3A_5 = arith.constant 25 : i32
    return
  }
}

#map = affine_map<(d0, d1) -> (0, 0)>
#map1 = affine_map<(d0, d1) -> (0, 0, 0)>
module attributes {stable_mosaic.version = 14 : i64} {
  func.func @_gather_body(%arg0: i32, %arg1: i32, %arg2: memref<10000x128xf32, #tpu.memory_space<hbm>>, %arg3: memref<320000x16xf32, #tpu.memory_space<hbm>>, %arg4: memref<32x25x80xi32, #tpu.memory_space<hbm>>, %arg5: memref<32x25x80xi32, #tpu.memory_space<hbm>>, %arg6: memref<64000x128xf32, #tpu.memory_space<hbm>>, %arg7: memref<64000x16xf32, #tpu.memory_space<hbm>>, %arg8: memref<25x80xi32, #tpu.memory_space<vmem>>, %arg9: memref<25x80xi32, #tpu.memory_space<vmem>>, %arg10: memref<80x128xf32, #tpu.memory_space<vmem>>, %arg11: memref<80x128xf32, #tpu.memory_space<vmem>>, %arg12: memref<80x16xf32, #tpu.memory_space<vmem>>, %arg13: memref<80x16xf32, #tpu.memory_space<vmem>>, %arg14: memref<!tpu.dma_semaphore, #tpu.memory_space<semaphore_mem>>, %arg15: memref<!tpu.dma_semaphore, #tpu.memory_space<semaphore_mem>>, %arg16: memref<!tpu.dma_semaphore, #tpu.memory_space<semaphore_mem>>, %arg17: memref<!tpu.dma_semaphore, #tpu.memory_space<semaphore_mem>>) attributes {dimension_semantics = [#tpu.dimension_semantics<core_parallel>, #tpu.dimension_semantics<subcore_parallel>], iteration_bounds = array<i64: 2, 16>, scalar_prefetch = 0 : i64, scratch_operands = 10 : i64, tpu.core_type = #tpu.core_type<sc_vector_subcore>, window_params = [{transform_indices = #map}, {transform_indices = #map}, {transform_indices = #map1}, {transform_indices = #map1}, {transform_indices = #map}, {transform_indices = #map}]} {
    %mul3A = arith.constant 2 : i32
    %mul3A_0 = arith.muli %arg1, %mul3A : i32
    %add3A = arith.addi %mul3A_0, %arg0 : i32
    "tpu.region"() ({
      %run_scoped3A = tpu.sem_alloc : memref<!tpu.dma_semaphore, #tpu.memory_space<semaphore_mem>>
      %dma_start3A = arith.constant 0 : i32
      %dma_start3A_6 = arith.constant 0 : i32
      %dma_start3A_7 = tpu.memref_slice %arg4[%add3A, %dma_start3A, %dma_start3A_6] : memref<32x25x80xi32, #tpu.memory_space<hbm>> -> memref<1x25x80xi32, #tpu.memory_space<hbm>>
      %dma_start3A_8 = tpu.memref_squeeze %dma_start3A_7 : memref<1x25x80xi32, #tpu.memory_space<hbm>> -> memref<25x80xi32, #tpu.memory_space<hbm>>
      %dma_start3A_9 = arith.constant 0 : i32
      %dma_start3A_10 = arith.constant 0 : i32
      %dma_start3A_11 = tpu.memref_slice %arg4[%add3A, %dma_start3A_9, %dma_start3A_10] : memref<32x25x80xi32, #tpu.memory_space<hbm>> -> memref<1x25x80xi32, #tpu.memory_space<hbm>>
      %dma_start3A_12 = tpu.memref_squeeze %dma_start3A_11 : memref<1x25x80xi32, #tpu.memory_space<hbm>> -> memref<25x80xi32, #tpu.memory_space<hbm>>
      tpu.enqueue_dma source(%dma_start3A_12 : memref<25x80xi32, #tpu.memory_space<hbm>>) target(%arg8 : memref<25x80xi32, #tpu.memory_space<vmem>>) target_semaphore(%run_scoped3A : memref<!tpu.dma_semaphore, #tpu.memory_space<semaphore_mem>>)
      %dma_wait3A = arith.constant 0 : i32
      %dma_wait3A_13 = arith.constant 0 : i32
      %dma_wait3A_14 = tpu.memref_slice %arg4[%add3A, %dma_wait3A, %dma_wait3A_13] : memref<32x25x80xi32, #tpu.memory_space<hbm>> -> memref<1x25x80xi32, #tpu.memory_space<hbm>>
      %dma_wait3A_15 = tpu.memref_squeeze %dma_wait3A_14 : memref<1x25x80xi32, #tpu.memory_space<hbm>> -> memref<25x80xi32, #tpu.memory_space<hbm>>
      %dma_wait3A_16 = arith.constant 0 : i32
      %dma_wait3A_17 = arith.constant 0 : i32
      %dma_wait3A_18 = tpu.memref_slice %arg4[%add3A, %dma_wait3A_16, %dma_wait3A_17] : memref<32x25x80xi32, #tpu.memory_space<hbm>> -> memref<1x25x80xi32, #tpu.memory_space<hbm>>
      %dma_wait3A_19 = tpu.memref_squeeze %dma_wait3A_18 : memref<1x25x80xi32, #tpu.memory_space<hbm>> -> memref<25x80xi32, #tpu.memory_space<hbm>>
      tpu.wait_dma2 semaphore(%run_scoped3A : memref<!tpu.dma_semaphore, #tpu.memory_space<semaphore_mem>>) src(%dma_wait3A_19 : memref<25x80xi32, #tpu.memory_space<hbm>>) dst(%arg8 : memref<25x80xi32, #tpu.memory_space<vmem>>)
      tpu.yield
    }) : () -> ()
    "tpu.region"() ({
      %run_scoped3A = tpu.sem_alloc : memref<!tpu.dma_semaphore, #tpu.memory_space<semaphore_mem>>
      %dma_start3A = arith.constant 0 : i32
      %dma_start3A_6 = arith.constant 0 : i32
      %dma_start3A_7 = tpu.memref_slice %arg5[%add3A, %dma_start3A, %dma_start3A_6] : memref<32x25x80xi32, #tpu.memory_space<hbm>> -> memref<1x25x80xi32, #tpu.memory_space<hbm>>
      %dma_start3A_8 = tpu.memref_squeeze %dma_start3A_7 : memref<1x25x80xi32, #tpu.memory_space<hbm>> -> memref<25x80xi32, #tpu.memory_space<hbm>>
      %dma_start3A_9 = arith.constant 0 : i32
      %dma_start3A_10 = arith.constant 0 : i32
      %dma_start3A_11 = tpu.memref_slice %arg5[%add3A, %dma_start3A_9, %dma_start3A_10] : memref<32x25x80xi32, #tpu.memory_space<hbm>> -> memref<1x25x80xi32, #tpu.memory_space<hbm>>
      %dma_start3A_12 = tpu.memref_squeeze %dma_start3A_11 : memref<1x25x80xi32, #tpu.memory_space<hbm>> -> memref<25x80xi32, #tpu.memory_space<hbm>>
      tpu.enqueue_dma source(%dma_start3A_12 : memref<25x80xi32, #tpu.memory_space<hbm>>) target(%arg9 : memref<25x80xi32, #tpu.memory_space<vmem>>) target_semaphore(%run_scoped3A : memref<!tpu.dma_semaphore, #tpu.memory_space<semaphore_mem>>)
      %dma_wait3A = arith.constant 0 : i32
      %dma_wait3A_13 = arith.constant 0 : i32
      %dma_wait3A_14 = tpu.memref_slice %arg5[%add3A, %dma_wait3A, %dma_wait3A_13] : memref<32x25x80xi32, #tpu.memory_space<hbm>> -> memref<1x25x80xi32, #tpu.memory_space<hbm>>
      %dma_wait3A_15 = tpu.memref_squeeze %dma_wait3A_14 : memref<1x25x80xi32, #tpu.memory_space<hbm>> -> memref<25x80xi32, #tpu.memory_space<hbm>>
      %dma_wait3A_16 = arith.constant 0 : i32
      %dma_wait3A_17 = arith.constant 0 : i32
      %dma_wait3A_18 = tpu.memref_slice %arg5[%add3A, %dma_wait3A_16, %dma_wait3A_17] : memref<32x25x80xi32, #tpu.memory_space<hbm>> -> memref<1x25x80xi32, #tpu.memory_space<hbm>>
      %dma_wait3A_19 = tpu.memref_squeeze %dma_wait3A_18 : memref<1x25x80xi32, #tpu.memory_space<hbm>> -> memref<25x80xi32, #tpu.memory_space<hbm>>
      tpu.wait_dma2 semaphore(%run_scoped3A : memref<!tpu.dma_semaphore, #tpu.memory_space<semaphore_mem>>) src(%dma_wait3A_19 : memref<25x80xi32, #tpu.memory_space<hbm>>) dst(%arg9 : memref<25x80xi32, #tpu.memory_space<vmem>>)
      tpu.yield
    }) : () -> ()
    %scan3A = arith.constant 0 : i32
    %scan3A_1 = arith.constant 0 : i32
    %scan3A_2 = arith.constant 25 : i32
    %scan3A_3 = arith.addi %scan3A_1, %scan3A_2 : i32
    %scan3A_4 = arith.constant 1 : i32
    scf.for %scan3A_6 = %scan3A_1 to %scan3A_3 step %scan3A_4  : i32 {
      %mul3A_7 = arith.constant 2000 : i32
      %mul3A_8 = arith.muli %add3A, %mul3A_7 : i32
      %mul3A_9 = arith.constant 80 : i32
      %mul3A_10 = arith.muli %scan3A_6, %mul3A_9 : i32
      %add3A_11 = arith.addi %mul3A_8, %mul3A_10 : i32
      %dma_start3A = arith.constant 0 : i32
      %dma_start3A_12 = tpu.memref_slice %arg8[%scan3A_6, %dma_start3A] : memref<25x80xi32, #tpu.memory_space<vmem>> -> memref<1x80xi32, #tpu.memory_space<vmem>>
      %dma_start3A_13 = tpu.memref_squeeze %dma_start3A_12 : memref<1x80xi32, #tpu.memory_space<vmem>> -> memref<80xi32, #tpu.memory_space<vmem>>
      %dma_start3A_14 = arith.constant 0 : i32
      %dma_start3A_15 = arith.constant 0 : i32
      %dma_start3A_16 = tpu.memref_slice %arg2[%dma_start3A_14, %dma_start3A_15] : memref<10000x128xf32, #tpu.memory_space<hbm>> -> memref<10000x128xf32, #tpu.memory_space<hbm>>
      tpu.enqueue_indirect_dma source(%dma_start3A_16 : memref<10000x128xf32, #tpu.memory_space<hbm>>) target(%arg10 : memref<80x128xf32, #tpu.memory_space<vmem>>) offsets(%dma_start3A_13 : memref<80xi32, #tpu.memory_space<vmem>>) semaphore(%arg14 : memref<!tpu.dma_semaphore, #tpu.memory_space<semaphore_mem>>)
      %dma_start3A_17 = arith.constant 0 : i32
      %dma_start3A_18 = tpu.memref_slice %arg9[%scan3A_6, %dma_start3A_17] : memref<25x80xi32, #tpu.memory_space<vmem>> -> memref<1x80xi32, #tpu.memory_space<vmem>>
      %dma_start3A_19 = tpu.memref_squeeze %dma_start3A_18 : memref<1x80xi32, #tpu.memory_space<vmem>> -> memref<80xi32, #tpu.memory_space<vmem>>
      %dma_start3A_20 = arith.constant 0 : i32
      %dma_start3A_21 = arith.constant 0 : i32
      %dma_start3A_22 = tpu.memref_slice %arg3[%dma_start3A_20, %dma_start3A_21] : memref<320000x16xf32, #tpu.memory_space<hbm>> -> memref<320000x16xf32, #tpu.memory_space<hbm>>
      tpu.enqueue_indirect_dma source(%dma_start3A_22 : memref<320000x16xf32, #tpu.memory_space<hbm>>) target(%arg12 : memref<80x16xf32, #tpu.memory_space<vmem>>) offsets(%dma_start3A_19 : memref<80xi32, #tpu.memory_space<vmem>>) semaphore(%arg15 : memref<!tpu.dma_semaphore, #tpu.memory_space<semaphore_mem>>)
      %dma_wait3A = arith.constant 0 : i32
      %dma_wait3A_23 = tpu.memref_slice %arg8[%scan3A_6, %dma_wait3A] : memref<25x80xi32, #tpu.memory_space<vmem>> -> memref<1x80xi32, #tpu.memory_space<vmem>>
      %dma_wait3A_24 = tpu.memref_squeeze %dma_wait3A_23 : memref<1x80xi32, #tpu.memory_space<vmem>> -> memref<80xi32, #tpu.memory_space<vmem>>
      %dma_wait3A_25 = arith.constant 0 : i32
      %dma_wait3A_26 = arith.constant 0 : i32
      %dma_wait3A_27 = tpu.memref_slice %arg2[%dma_wait3A_25, %dma_wait3A_26] : memref<10000x128xf32, #tpu.memory_space<hbm>> -> memref<10000x128xf32, #tpu.memory_space<hbm>>
      tpu.wait_indirect_dma semaphore(%arg14 : memref<!tpu.dma_semaphore, #tpu.memory_space<semaphore_mem>>) src(%dma_wait3A_27 : memref<10000x128xf32, #tpu.memory_space<hbm>>) dst(%arg10 : memref<80x128xf32, #tpu.memory_space<vmem>>)
      %dma_wait3A_28 = arith.constant 0 : i32
      %dma_wait3A_29 = tpu.memref_slice %arg9[%scan3A_6, %dma_wait3A_28] : memref<25x80xi32, #tpu.memory_space<vmem>> -> memref<1x80xi32, #tpu.memory_space<vmem>>
      %dma_wait3A_30 = tpu.memref_squeeze %dma_wait3A_29 : memref<1x80xi32, #tpu.memory_space<vmem>> -> memref<80xi32, #tpu.memory_space<vmem>>
      %dma_wait3A_31 = arith.constant 0 : i32
      %dma_wait3A_32 = arith.constant 0 : i32
      %dma_wait3A_33 = tpu.memref_slice %arg3[%dma_wait3A_31, %dma_wait3A_32] : memref<320000x16xf32, #tpu.memory_space<hbm>> -> memref<320000x16xf32, #tpu.memory_space<hbm>>
      tpu.wait_indirect_dma semaphore(%arg15 : memref<!tpu.dma_semaphore, #tpu.memory_space<semaphore_mem>>) src(%dma_wait3A_33 : memref<320000x16xf32, #tpu.memory_space<hbm>>) dst(%arg12 : memref<80x16xf32, #tpu.memory_space<vmem>>)
      "tpu.region"() ({
        %run_scoped3A = tpu.sem_alloc : memref<!tpu.dma_semaphore, #tpu.memory_space<semaphore_mem>>
        %dma_start3A_34 = arith.constant 0 : i32
        %dma_start3A_35 = tpu.memref_slice %arg6[%add3A_11, %dma_start3A_34] : memref<64000x128xf32, #tpu.memory_space<hbm>> -> memref<80x128xf32, #tpu.memory_space<hbm>>
        %dma_start3A_36 = arith.constant 0 : i32
        %dma_start3A_37 = tpu.memref_slice %arg6[%add3A_11, %dma_start3A_36] : memref<64000x128xf32, #tpu.memory_space<hbm>> -> memref<80x128xf32, #tpu.memory_space<hbm>>
        tpu.enqueue_dma source(%arg10 : memref<80x128xf32, #tpu.memory_space<vmem>>) target(%dma_start3A_37 : memref<80x128xf32, #tpu.memory_space<hbm>>) target_semaphore(%run_scoped3A : memref<!tpu.dma_semaphore, #tpu.memory_space<semaphore_mem>>)
        %dma_wait3A_38 = arith.constant 0 : i32
        %dma_wait3A_39 = tpu.memref_slice %arg6[%add3A_11, %dma_wait3A_38] : memref<64000x128xf32, #tpu.memory_space<hbm>> -> memref<80x128xf32, #tpu.memory_space<hbm>>
        %dma_wait3A_40 = arith.constant 0 : i32
        %dma_wait3A_41 = tpu.memref_slice %arg6[%add3A_11, %dma_wait3A_40] : memref<64000x128xf32, #tpu.memory_space<hbm>> -> memref<80x128xf32, #tpu.memory_space<hbm>>
        tpu.wait_dma2 semaphore(%run_scoped3A : memref<!tpu.dma_semaphore, #tpu.memory_space<semaphore_mem>>) src(%arg10 : memref<80x128xf32, #tpu.memory_space<vmem>>) dst(%dma_wait3A_41 : memref<80x128xf32, #tpu.memory_space<hbm>>)
        tpu.yield
      }) : () -> ()
      "tpu.region"() ({
        %run_scoped3A = tpu.sem_alloc : memref<!tpu.dma_semaphore, #tpu.memory_space<semaphore_mem>>
        %dma_start3A_34 = arith.constant 0 : i32
        %dma_start3A_35 = tpu.memref_slice %arg7[%add3A_11, %dma_start3A_34] : memref<64000x16xf32, #tpu.memory_space<hbm>> -> memref<80x16xf32, #tpu.memory_space<hbm>>
        %dma_start3A_36 = arith.constant 0 : i32
        %dma_start3A_37 = tpu.memref_slice %arg7[%add3A_11, %dma_start3A_36] : memref<64000x16xf32, #tpu.memory_space<hbm>> -> memref<80x16xf32, #tpu.memory_space<hbm>>
        tpu.enqueue_dma source(%arg12 : memref<80x16xf32, #tpu.memory_space<vmem>>) target(%dma_start3A_37 : memref<80x16xf32, #tpu.memory_space<hbm>>) target_semaphore(%run_scoped3A : memref<!tpu.dma_semaphore, #tpu.memory_space<semaphore_mem>>)
        %dma_wait3A_38 = arith.constant 0 : i32
        %dma_wait3A_39 = tpu.memref_slice %arg7[%add3A_11, %dma_wait3A_38] : memref<64000x16xf32, #tpu.memory_space<hbm>> -> memref<80x16xf32, #tpu.memory_space<hbm>>
        %dma_wait3A_40 = arith.constant 0 : i32
        %dma_wait3A_41 = tpu.memref_slice %arg7[%add3A_11, %dma_wait3A_40] : memref<64000x16xf32, #tpu.memory_space<hbm>> -> memref<80x16xf32, #tpu.memory_space<hbm>>
        tpu.wait_dma2 semaphore(%run_scoped3A : memref<!tpu.dma_semaphore, #tpu.memory_space<semaphore_mem>>) src(%arg12 : memref<80x16xf32, #tpu.memory_space<vmem>>) dst(%dma_wait3A_41 : memref<80x16xf32, #tpu.memory_space<hbm>>)
        tpu.yield
      }) : () -> ()
    }
    %scan3A_5 = arith.constant 25 : i32
    return
  }
}

module attributes {stable_mosaic.version = 14 : i64} {
  func.func @_attn_body(%arg0: i32, %arg1: memref<12800x128xf32, #tpu.memory_space<vmem>>, %arg2: memref<1600x128xf32, #tpu.memory_space<vmem>>, %arg3: memref<400x32xi32, #tpu.memory_space<vmem>>, %arg4: memref<400x32xi32, #tpu.memory_space<vmem>>, %arg5: memref<400x128xf32, #tpu.memory_space<vmem>>, %arg6: memref<128x128xf32, #tpu.memory_space<vmem>>, %arg7: memref<16x128xf32, #tpu.memory_space<vmem>>, %arg8: memref<128x128xf32, #tpu.memory_space<vmem>>, %arg9: memref<1x128xf32, #tpu.memory_space<vmem>>, %arg10: memref<1x128xf32, #tpu.memory_space<vmem>>, %arg11: memref<400x128xf32, #tpu.memory_space<vmem>>) attributes {dimension_semantics = [#tpu.dimension_semantics<arbitrary>], iteration_bounds = array<i64: 5>, scalar_prefetch = 0 : i64, scratch_operands = 0 : i64, tpu.core_type = #tpu.core_type<tc>, window_params = [{transform_indices = @transform_0, window_bounds = array<i64: 12800, 128>}, {transform_indices = @transform_1, window_bounds = array<i64: 1600, 128>}, {transform_indices = @transform_2, window_bounds = array<i64: 400, 32>}, {transform_indices = @transform_3, window_bounds = array<i64: 400, 32>}, {transform_indices = @transform_4, window_bounds = array<i64: 400, 128>}, {pipeline_mode = #tpu.pipeline_mode<synchronous>, transform_indices = @transform_5, window_bounds = array<i64: 128, 128>}, {pipeline_mode = #tpu.pipeline_mode<synchronous>, transform_indices = @transform_6, window_bounds = array<i64: 16, 128>}, {pipeline_mode = #tpu.pipeline_mode<synchronous>, transform_indices = @transform_7, window_bounds = array<i64: 128, 128>}, {pipeline_mode = #tpu.pipeline_mode<synchronous>, transform_indices = @transform_8, window_bounds = array<i64: 1, 128>}, {pipeline_mode = #tpu.pipeline_mode<synchronous>, transform_indices = @transform_9, window_bounds = array<i64: 1, 128>}, {transform_indices = @transform_10, window_bounds = array<i64: 400, 128>}]} {
    %get3A = arith.constant 0 : index
    %get3A_0 = arith.constant 0 : index
    %get3A_1 = vector.load %arg1[%get3A, %get3A_0] : memref<12800x128xf32, #tpu.memory_space<vmem>>, vector<12800x128xf32>
    %get3A_2 = arith.constant 0 : index
    %get3A_3 = arith.constant 0 : index
    %get3A_4 = vector.load %arg2[%get3A_2, %get3A_3] : memref<1600x128xf32, #tpu.memory_space<vmem>>, vector<1600x128xf32>
    %get3A_5 = arith.constant 0 : index
    %get3A_6 = arith.constant 0 : index
    %get3A_7 = vector.load %arg5[%get3A_5, %get3A_6] : memref<400x128xf32, #tpu.memory_space<vmem>>, vector<400x128xf32>
    %get3A_8 = arith.constant 0 : index
    %get3A_9 = arith.constant 0 : index
    %get3A_10 = vector.load %arg6[%get3A_8, %get3A_9] : memref<128x128xf32, #tpu.memory_space<vmem>>, vector<128x128xf32>
    %dot_general3A = arith.constant dense<0.000000e+00> : vector<400x128xf32>
    %dot_general3A_11 = tpu.matmul %get3A_7, %get3A_10, %dot_general3A {dimension_numbers = #tpu.dot_dimension_numbers<[1], [0], [0], [1], [0, 0, 1, 1], [], []>, transpose_lhs_hint = false} : vector<400x128xf32>, vector<128x128xf32>, vector<400x128xf32> -> vector<400x128xf32>
    %get3A_12 = arith.constant 0 : index
    %get3A_13 = arith.constant 0 : index
    %get3A_14 = vector.load %arg9[%get3A_12, %get3A_13] : memref<1x128xf32, #tpu.memory_space<vmem>>, vector<1x128xf32>
    %add3A = vector.broadcast %get3A_14 : vector<1x128xf32> to vector<400x128xf32>
    %add3A_15 = arith.addf %dot_general3A_11, %add3A : vector<400x128xf32>
    %get3A_16 = arith.constant 0 : index
    %get3A_17 = arith.constant 0 : index
    %get3A_18 = vector.load %arg8[%get3A_16, %get3A_17] : memref<128x128xf32, #tpu.memory_space<vmem>>, vector<128x128xf32>
    %dot_general3A_19 = arith.constant dense<0.000000e+00> : vector<12800x128xf32>
    %dot_general3A_20 = tpu.matmul %get3A_1, %get3A_18, %dot_general3A_19 {dimension_numbers = #tpu.dot_dimension_numbers<[1], [0], [0], [1], [0, 0, 1, 1], [], []>, transpose_lhs_hint = false} : vector<12800x128xf32>, vector<128x128xf32>, vector<12800x128xf32> -> vector<12800x128xf32>
    %slice3A = vector.extract_strided_slice %get3A_4 {offsets = [0, 0], sizes = [1600, 16], strides = [1, 1]} : vector<1600x128xf32> to vector<1600x16xf32>
    %get3A_21 = arith.constant 0 : index
    %get3A_22 = arith.constant 0 : index
    %get3A_23 = vector.load %arg7[%get3A_21, %get3A_22] : memref<16x128xf32, #tpu.memory_space<vmem>>, vector<16x128xf32>
    %dot_general3A_24 = arith.constant dense<0.000000e+00> : vector<1600x128xf32>
    %dot_general3A_25 = tpu.matmul %slice3A, %get3A_23, %dot_general3A_24 {dimension_numbers = #tpu.dot_dimension_numbers<[1], [0], [0], [1], [0, 0, 1, 1], [], []>, transpose_lhs_hint = false} : vector<1600x16xf32>, vector<16x128xf32>, vector<1600x128xf32> -> vector<1600x128xf32>
    %slice3A_26 = vector.extract_strided_slice %get3A_4 {offsets = [0, 16], sizes = [1600, 16], strides = [1, 1]} : vector<1600x128xf32> to vector<1600x16xf32>
    %get3A_27 = arith.constant 0 : index
    %get3A_28 = arith.constant 0 : index
    %get3A_29 = vector.load %arg7[%get3A_27, %get3A_28] : memref<16x128xf32, #tpu.memory_space<vmem>>, vector<16x128xf32>
    %dot_general3A_30 = arith.constant dense<0.000000e+00> : vector<1600x128xf32>
    %dot_general3A_31 = tpu.matmul %slice3A_26, %get3A_29, %dot_general3A_30 {dimension_numbers = #tpu.dot_dimension_numbers<[1], [0], [0], [1], [0, 0, 1, 1], [], []>, transpose_lhs_hint = false} : vector<1600x16xf32>, vector<16x128xf32>, vector<1600x128xf32> -> vector<1600x128xf32>
    %slice3A_32 = vector.extract_strided_slice %get3A_4 {offsets = [0, 32], sizes = [1600, 16], strides = [1, 1]} : vector<1600x128xf32> to vector<1600x16xf32>
    %get3A_33 = arith.constant 0 : index
    %get3A_34 = arith.constant 0 : index
    %get3A_35 = vector.load %arg7[%get3A_33, %get3A_34] : memref<16x128xf32, #tpu.memory_space<vmem>>, vector<16x128xf32>
    %dot_general3A_36 = arith.constant dense<0.000000e+00> : vector<1600x128xf32>
    %dot_general3A_37 = tpu.matmul %slice3A_32, %get3A_35, %dot_general3A_36 {dimension_numbers = #tpu.dot_dimension_numbers<[1], [0], [0], [1], [0, 0, 1, 1], [], []>, transpose_lhs_hint = false} : vector<1600x16xf32>, vector<16x128xf32>, vector<1600x128xf32> -> vector<1600x128xf32>
    %slice3A_38 = vector.extract_strided_slice %get3A_4 {offsets = [0, 48], sizes = [1600, 16], strides = [1, 1]} : vector<1600x128xf32> to vector<1600x16xf32>
    %get3A_39 = arith.constant 0 : index
    %get3A_40 = arith.constant 0 : index
    %get3A_41 = vector.load %arg7[%get3A_39, %get3A_40] : memref<16x128xf32, #tpu.memory_space<vmem>>, vector<16x128xf32>
    %dot_general3A_42 = arith.constant dense<0.000000e+00> : vector<1600x128xf32>
    %dot_general3A_43 = tpu.matmul %slice3A_38, %get3A_41, %dot_general3A_42 {dimension_numbers = #tpu.dot_dimension_numbers<[1], [0], [0], [1], [0, 0, 1, 1], [], []>, transpose_lhs_hint = false} : vector<1600x16xf32>, vector<16x128xf32>, vector<1600x128xf32> -> vector<1600x128xf32>
    %slice3A_44 = vector.extract_strided_slice %get3A_4 {offsets = [0, 64], sizes = [1600, 16], strides = [1, 1]} : vector<1600x128xf32> to vector<1600x16xf32>
    %get3A_45 = arith.constant 0 : index
    %get3A_46 = arith.constant 0 : index
    %get3A_47 = vector.load %arg7[%get3A_45, %get3A_46] : memref<16x128xf32, #tpu.memory_space<vmem>>, vector<16x128xf32>
    %dot_general3A_48 = arith.constant dense<0.000000e+00> : vector<1600x128xf32>
    %dot_general3A_49 = tpu.matmul %slice3A_44, %get3A_47, %dot_general3A_48 {dimension_numbers = #tpu.dot_dimension_numbers<[1], [0], [0], [1], [0, 0, 1, 1], [], []>, transpose_lhs_hint = false} : vector<1600x16xf32>, vector<16x128xf32>, vector<1600x128xf32> -> vector<1600x128xf32>
    %slice3A_50 = vector.extract_strided_slice %get3A_4 {offsets = [0, 80], sizes = [1600, 16], strides = [1, 1]} : vector<1600x128xf32> to vector<1600x16xf32>
    %get3A_51 = arith.constant 0 : index
    %get3A_52 = arith.constant 0 : index
    %get3A_53 = vector.load %arg7[%get3A_51, %get3A_52] : memref<16x128xf32, #tpu.memory_space<vmem>>, vector<16x128xf32>
    %dot_general3A_54 = arith.constant dense<0.000000e+00> : vector<1600x128xf32>
    %dot_general3A_55 = tpu.matmul %slice3A_50, %get3A_53, %dot_general3A_54 {dimension_numbers = #tpu.dot_dimension_numbers<[1], [0], [0], [1], [0, 0, 1, 1], [], []>, transpose_lhs_hint = false} : vector<1600x16xf32>, vector<16x128xf32>, vector<1600x128xf32> -> vector<1600x128xf32>
    %slice3A_56 = vector.extract_strided_slice %get3A_4 {offsets = [0, 96], sizes = [1600, 16], strides = [1, 1]} : vector<1600x128xf32> to vector<1600x16xf32>
    %get3A_57 = arith.constant 0 : index
    %get3A_58 = arith.constant 0 : index
    %get3A_59 = vector.load %arg7[%get3A_57, %get3A_58] : memref<16x128xf32, #tpu.memory_space<vmem>>, vector<16x128xf32>
    %dot_general3A_60 = arith.constant dense<0.000000e+00> : vector<1600x128xf32>
    %dot_general3A_61 = tpu.matmul %slice3A_56, %get3A_59, %dot_general3A_60 {dimension_numbers = #tpu.dot_dimension_numbers<[1], [0], [0], [1], [0, 0, 1, 1], [], []>, transpose_lhs_hint = false} : vector<1600x16xf32>, vector<16x128xf32>, vector<1600x128xf32> -> vector<1600x128xf32>
    %slice3A_62 = vector.extract_strided_slice %get3A_4 {offsets = [0, 112], sizes = [1600, 16], strides = [1, 1]} : vector<1600x128xf32> to vector<1600x16xf32>
    %get3A_63 = arith.constant 0 : index
    %get3A_64 = arith.constant 0 : index
    %get3A_65 = vector.load %arg7[%get3A_63, %get3A_64] : memref<16x128xf32, #tpu.memory_space<vmem>>, vector<16x128xf32>
    %dot_general3A_66 = arith.constant dense<0.000000e+00> : vector<1600x128xf32>
    %dot_general3A_67 = tpu.matmul %slice3A_62, %get3A_65, %dot_general3A_66 {dimension_numbers = #tpu.dot_dimension_numbers<[1], [0], [0], [1], [0, 0, 1, 1], [], []>, transpose_lhs_hint = false} : vector<1600x16xf32>, vector<16x128xf32>, vector<1600x128xf32> -> vector<1600x128xf32>
    %concatenate3A = tpu.concatenate %dot_general3A_25, %dot_general3A_31, %dot_general3A_37, %dot_general3A_43, %dot_general3A_49, %dot_general3A_55, %dot_general3A_61, %dot_general3A_67 in 0 : vector<1600x128xf32>, vector<1600x128xf32>, vector<1600x128xf32>, vector<1600x128xf32>, vector<1600x128xf32>, vector<1600x128xf32>, vector<1600x128xf32>, vector<1600x128xf32> -> vector<12800x128xf32>
    %get3A_68 = arith.constant 0 : index
    %get3A_69 = arith.constant 0 : index
    %get3A_70 = vector.load %arg3[%get3A_68, %get3A_69] : memref<400x32xi32, #tpu.memory_space<vmem>>, vector<400x32xi32>
    %gt3A = arith.constant 0 : i32
    %gt3A_71 = vector.broadcast %gt3A : i32 to vector<400x32xi32>
    %gt3A_72 = arith.cmpi sgt, %get3A_70, %gt3A_71 : vector<400x32xi32>
    %convert_element_type3A = arith.extui %gt3A_72 : vector<400x32xi1> to vector<400x32xi32>
    %convert_element_type3A_73 = arith.sitofp %convert_element_type3A : vector<400x32xi32> to vector<400x32xf32>
    %get3A_74 = arith.constant 0 : index
    %get3A_75 = arith.constant 0 : index
    %get3A_76 = vector.load %arg4[%get3A_74, %get3A_75] : memref<400x32xi32, #tpu.memory_space<vmem>>, vector<400x32xi32>
    %gt3A_77 = arith.constant 0 : i32
    %gt3A_78 = vector.broadcast %gt3A_77 : i32 to vector<400x32xi32>
    %gt3A_79 = arith.cmpi sgt, %get3A_76, %gt3A_78 : vector<400x32xi32>
    %convert_element_type3A_80 = arith.extui %gt3A_79 : vector<400x32xi1> to vector<400x32xi32>
    %convert_element_type3A_81 = arith.sitofp %convert_element_type3A_80 : vector<400x32xi32> to vector<400x32xf32>
    %broadcast_in_dim3A = vector.shape_cast %add3A_15 : vector<400x128xf32> to vector<400x1x128xf32>
    %broadcast_in_dim3A_82 = vector.shape_cast %convert_element_type3A_73 : vector<400x32xf32> to vector<400x32x1xf32>
    %reshape3A = vector.shape_cast %dot_general3A_20 : vector<12800x128xf32> to vector<400x32x128xf32>
    %mul3A = vector.broadcast %broadcast_in_dim3A_82 : vector<400x32x1xf32> to vector<400x32x128xf32>
    %mul3A_83 = arith.mulf %mul3A, %reshape3A : vector<400x32x128xf32>
    %add3A_84 = vector.broadcast %broadcast_in_dim3A : vector<400x1x128xf32> to vector<400x32x128xf32>
    %add3A_85 = arith.addf %add3A_84, %mul3A_83 : vector<400x32x128xf32>
    %broadcast_in_dim3A_86 = vector.shape_cast %convert_element_type3A_81 : vector<400x32xf32> to vector<400x32x1xf32>
    %reshape3A_87 = vector.shape_cast %concatenate3A : vector<12800x128xf32> to vector<400x32x128xf32>
    %mul3A_88 = vector.broadcast %broadcast_in_dim3A_86 : vector<400x32x1xf32> to vector<400x32x128xf32>
    %mul3A_89 = arith.mulf %mul3A_88, %reshape3A_87 : vector<400x32x128xf32>
    %add3A_90 = arith.addf %add3A_85, %mul3A_89 : vector<400x32x128xf32>
    %max3A = arith.constant 0.000000e+00 : f32
    %max3A_91 = vector.broadcast %max3A : f32 to vector<400x32x128xf32>
    %max3A_92 = arith.maximumf %add3A_90, %max3A_91 : vector<400x32x128xf32>
    %get3A_93 = arith.constant 0 : index
    %get3A_94 = arith.constant 0 : index
    %get3A_95 = vector.load %arg10[%get3A_93, %get3A_94] : memref<1x128xf32, #tpu.memory_space<vmem>>, vector<1x128xf32>
    %broadcast_in_dim3A_96 = vector.shape_cast %get3A_95 : vector<1x128xf32> to vector<1x1x128xf32>
    %mul3A_97 = vector.broadcast %broadcast_in_dim3A_96 : vector<1x1x128xf32> to vector<400x32x128xf32>
    %mul3A_98 = arith.mulf %max3A_92, %mul3A_97 : vector<400x32x128xf32>
    %reduce_sum3A = arith.constant dense<0.000000e+00> : vector<400x32xf32>
    %reduce_sum3A_99 = vector.multi_reduction <add>, %mul3A_98, %reduce_sum3A [2] : vector<400x32x128xf32> to vector<400x32xf32>
    %reduce_max3A = arith.constant dense<0xFF800000> : vector<400xf32>
    %reduce_max3A_100 = vector.multi_reduction <maximumf>, %reduce_sum3A_99, %reduce_max3A [1] : vector<400x32xf32> to vector<400xf32>
    %broadcast_in_dim3A_101 = vector.shape_cast %reduce_max3A_100 : vector<400xf32> to vector<400x1xf32>
    %sub3A = vector.broadcast %broadcast_in_dim3A_101 : vector<400x1xf32> to vector<400x32xf32>
    %sub3A_102 = arith.subf %reduce_sum3A_99, %sub3A : vector<400x32xf32>
    %exp3A = math.exp %sub3A_102 : vector<400x32xf32>
    %reduce_sum3A_103 = arith.constant dense<0.000000e+00> : vector<400xf32>
    %reduce_sum3A_104 = vector.multi_reduction <add>, %exp3A, %reduce_sum3A_103 [1] : vector<400x32xf32> to vector<400xf32>
    %broadcast_in_dim3A_105 = vector.shape_cast %reduce_sum3A_104 : vector<400xf32> to vector<400x1xf32>
    %div3A = vector.broadcast %broadcast_in_dim3A_105 : vector<400x1xf32> to vector<400x32xf32>
    %div3A_106 = arith.divf %exp3A, %div3A : vector<400x32xf32>
    %mul3A_107 = arith.mulf %div3A_106, %convert_element_type3A_73 : vector<400x32xf32>
    %reshape3A_108 = vector.shape_cast %get3A_1 : vector<12800x128xf32> to vector<400x32x128xf32>
    %broadcast_in_dim3A_109 = vector.shape_cast %mul3A_107 : vector<400x32xf32> to vector<400x32x1xf32>
    %mul3A_110 = vector.broadcast %broadcast_in_dim3A_109 : vector<400x32x1xf32> to vector<400x32x128xf32>
    %mul3A_111 = arith.mulf %mul3A_110, %reshape3A_108 : vector<400x32x128xf32>
    %reduce_sum3A_112 = arith.constant dense<0.000000e+00> : vector<400x128xf32>
    %reduce_sum3A_113 = vector.multi_reduction <add>, %mul3A_111, %reduce_sum3A_112 [1] : vector<400x32x128xf32> to vector<400x128xf32>
    %swap3A = arith.constant 0 : index
    %swap3A_114 = arith.constant 0 : index
    %swap3A_115 = vector.load %arg11[%swap3A, %swap3A_114] : memref<400x128xf32, #tpu.memory_space<vmem>>, vector<400x128xf32>
    tpu.vector_store %arg11[%swap3A, %swap3A_114], %reduce_sum3A_113 {strides = array<i32>} : memref<400x128xf32, #tpu.memory_space<vmem>>, vector<400x128xf32>,
    return
  }
  func.func @transform_0(%arg0: i32) -> (i32, i32) {
    %c0_i32 = arith.constant 0 : i32
    %c0_i32_0 = arith.constant 0 : i32
    return %arg0, %c0_i32 : i32, i32
  }
  func.func @transform_1(%arg0: i32) -> (i32, i32) {
    %c0_i32 = arith.constant 0 : i32
    %c0_i32_0 = arith.constant 0 : i32
    return %arg0, %c0_i32 : i32, i32
  }
  func.func @transform_2(%arg0: i32) -> (i32, i32) {
    %c0_i32 = arith.constant 0 : i32
    %c0_i32_0 = arith.constant 0 : i32
    return %arg0, %c0_i32 : i32, i32
  }
  func.func @transform_3(%arg0: i32) -> (i32, i32) {
    %c0_i32 = arith.constant 0 : i32
    %c0_i32_0 = arith.constant 0 : i32
    return %arg0, %c0_i32 : i32, i32
  }
  func.func @transform_4(%arg0: i32) -> (i32, i32) {
    %c0_i32 = arith.constant 0 : i32
    %c0_i32_0 = arith.constant 0 : i32
    return %arg0, %c0_i32 : i32, i32
  }
  func.func @transform_5(%arg0: i32) -> (i32, i32) {
    %c0_i32 = arith.constant 0 : i32
    %c0_i32_0 = arith.constant 0 : i32
    %c0_i32_1 = arith.constant 0 : i32
    return %c0_i32, %c0_i32_0 : i32, i32
  }
  func.func @transform_6(%arg0: i32) -> (i32, i32) {
    %c0_i32 = arith.constant 0 : i32
    %c0_i32_0 = arith.constant 0 : i32
    %c0_i32_1 = arith.constant 0 : i32
    return %c0_i32, %c0_i32_0 : i32, i32
  }
  func.func @transform_7(%arg0: i32) -> (i32, i32) {
    %c0_i32 = arith.constant 0 : i32
    %c0_i32_0 = arith.constant 0 : i32
    %c0_i32_1 = arith.constant 0 : i32
    return %c0_i32, %c0_i32_0 : i32, i32
  }
  func.func @transform_8(%arg0: i32) -> (i32, i32) {
    %c0_i32 = arith.constant 0 : i32
    %c0_i32_0 = arith.constant 0 : i32
    %c0_i32_1 = arith.constant 0 : i32
    return %c0_i32, %c0_i32_0 : i32, i32
  }
  func.func @transform_9(%arg0: i32) -> (i32, i32) {
    %c0_i32 = arith.constant 0 : i32
    %c0_i32_0 = arith.constant 0 : i32
    %c0_i32_1 = arith.constant 0 : i32
    return %c0_i32, %c0_i32_0 : i32, i32
  }
  func.func @transform_10(%arg0: i32) -> (i32, i32) {
    %c0_i32 = arith.constant 0 : i32
    %c0_i32_0 = arith.constant 0 : i32
    return %arg0, %c0_i32 : i32, i32
  }
}

</mosaic_0001>

<sc_bundles>
// kernel: kernel.12.cloned.1.call-start
scs
__scs_entry_jumppad:
0x0: {  	(pc) =	sbr.rel $0x88, $3  }
0x1: {  	(tag) =	ssettag $0x0;
	lr =	simm.s32 $0x1  }
0x2: {  	[smem:$0x3F98] =	sst lr;
	_ =	strace $0xD0000000  }
0x3: {  	_ = 	snop  }
0x4: {  	_ = 	snop  }
0x5: {  	_ = 	snop  }
0x6: {  	_ = 	snop  }
0x7: {  	_ = 	snop  }
__scs_overlays_trampoline_lowered:
0x8: {  	[smem:$0x3FA7] =	sst s0  }
0x9: {  	[smem:$0x3FA8] =	sst s1  }
0xa: {  	[smem:$0x3FA9] =	sst s2  }
0xb: {  	[smem:$0x3FAA] =	sst s3  }
0xc: {  	[smem:$0x3FAB] =	sst s4  }
0xd: {  	[smem:$0x3FAC] =	sst s5  }
0xe: {  	[smem:$0x3FAD] =	sst s6  }
0xf: {  	[smem:$0x3FAE] =	sst s7  }
0x10: {  	[smem:$0x3FAF] =	sst s8  }
0x11: {  	[smem:$0x3FB0] =	sst s9;
	s0 =	simm.s32 @!p0 $0x0  }
0x12: {  	s1 =	sld [smem:$0x3F96];
	s0 =	simm.s32 @p0 $0x1  }
0x13: {  	[smem:$0x3FB1] =	sst s0;
	s0 =	simm.s32 @!p1 $0x0  }
0x14: {  	s2 =	sld [smem:$0x3F95];
	s0 =	simm.s32 @p1 $0x1  }
0x15: {  	[smem:$0x3FB2] =	sst s0;
	s0 =	simm.s32 @!p2 $0x0  }
0x16: {  	s3 =	sld [smem:$0x3FDB];
	s0 =	simm.s32 @p2 $0x1  }
0x17: {  	s4 =	simm.s32 $0x1BF5;
	[smem:$0x3FB4] =	sst s0  }
0x18: {  	s0 =	sld [smem:$0x3F97];
	_ =	swait.ge [sflag:s4], $0x0  }
0x19: {  	s7 =	sld [smem:$0x3F98]  }
0x1a: {  	s8 =	sadd.s32 $0xFFFFE003, lr  }
0x1b: {  	s9 =	sadd.s32 $0xFFFFFEF7, lr;
	s5 =	simm.s32 $0xFFFFFFFF;
	p2 =	slt.u32 s8, $0xFFFFF086  }
0x1c: {  	p1 =	slt.u32 s9, $0xF7A;
	s5 =	simm.s32 @!p2 $0x0  }
0x1d: {  	s5 =	simm.s32 @p1 $0x1;
	p0 =	seq.s32 s7, s2  }
0x1e: {  	s7 =	smul.u32 @!p0 $0xF7A, s2;
	p2 =	seq.s32 @!p0 s5, $0x0  }
0x1f: {  	s9 =	smul.u32 $0xF7A, s1;
	s8 =	simm.s32 @!p0 $0x1BF5;
	p2 =	por !p2, p0  }
0x20: {  	[sflag:s8] =	ssyncset.s32 @!p0 $0xFFFFF086;
	s6 =	sadd.s32 @!p0 s3, s7;
	s7 =	simm.s32 @!p0 $0x108  }
0x21: {  	s3 =	sadd.s32 s3, s9;
	s6 =	sadd.s32 @!p0 $0x88, s6;
	s7 =	simm.s32 @p2 $0x1082  }
0x22: {  	[simem:s7], [sflag:s8] =	dma.local @!p0 [hbm:s6], $0xF7A  }
0x23: {  	s9 =	sor.u32 $0xD0000000, s2;
	s6 =	simm.s32 $0x108;
	_ =	swait.ge @!p0 [sflag:s8], $0x0  }
0x24: {  	s3 =	sadd.s32 $0x88, s3;
	s6 =	simm.s32 @!p1 $0x1082;
	[sflag:s4] =	ssyncset.s32 $0xFFFFF086  }
0x25: {  	[simem:s6], [sflag:s4] =	dma.local [hbm:s3], $0xF7A  }
0x26: {  	[smem:$0x3F98] =	sst s1;
	(tag) =	ssettag s2;
	_ =	strace s9  }
0x27: {  	s1 =	sld [smem:$0x3FA8]  }
0x28: {  	s2 =	sld [smem:$0x3FA9]  }
0x29: {  	s4 =	sld [smem:$0x3FAB]  }
0x2a: {  	p0 =	seq.s32 s5, $0x0;
	s5 =	sld [smem:$0x3FAC]  }
0x2b: {  	s6 =	sld [smem:$0x3FAD]  }
0x2c: {  	s7 =	sld [smem:$0x3FAE]  }
0x2d: {  	s3 =	simm.s32 $0x108;
	s8 =	sld [smem:$0x3FAF]  }
0x2e: {  	s3 =	simm.s32 @!p0 $0x1082;
	s9 =	sld [smem:$0x3FB0]  }
0x2f: {  	lr =	sadd.s32 s0, s3;
	s0 =	sld [smem:$0x3FA7]  }
0x30: {  	s3 =	sld [smem:$0x3FAA]  }
0x31: {  	[smem:$0x3FB3] =	sst s10  }
0x32: {  	s10 =	sld [smem:$0x3FB1];
	_ =	sdelay $0x3  }
0x33: {  	p0 =	seq.s32 s10, $0x1;
	s10 =	sld [smem:$0x3FB3];
	_ =	sdelay $0x3  }
0x34: {  	[smem:$0x3FB3] =	sst s10  }
0x35: {  	s10 =	sld [smem:$0x3FB2];
	_ =	sdelay $0x3  }
0x36: {  	p1 =	seq.s32 s10, $0x1;
	s10 =	sld [smem:$0x3FB3];
	_ =	sdelay $0x3  }
0x37: {  	[smem:$0x3FB3] =	sst s10  }
0x38: {  	s10 =	sld [smem:$0x3FB4]  }
0x39: {  	_ = 	snop;
	(pc) =	sbr.ind lr, $3  }
0x3a: {  	_ = 	snop  }
0x3b: {  	_ = 	snop  }
0x3c: {  	p2 =	seq.s32 s10, $0x1;
	s10 =	sld [smem:$0x3FB3]  }
0x3d: {  	_ =	shalt  }
0x3e: {  	_ =	shalt  }
0x3f: {  	_ =	shalt  }
0x40: {  	_ =	shalt  }
0x41: {  	_ =	shalt  }
0x42: {  	_ =	shalt  }
0x43: {  	_ =	shalt  }
0x44: {  	_ =	shalt  }
0x45: {  	_ =	shalt  }
0x46: {  	_ =	shalt  }
0x47: {  	_ =	shalt  }
0x48: {  	_ =	shalt  }
0x49: {  	_ =	shalt  }
0x4a: {  	_ =	shalt  }
0x4b: {  	_ =	shalt  }
0x4c: {  	_ =	shalt  }
0x4d: {  	_ =	shalt  }
0x4e: {  	_ =	shalt  }
0x4f: {  	_ =	shalt  }
0x50: {  	_ =	shalt  }
0x51: {  	_ =	shalt  }
0x52: {  	_ =	shalt  }
0x53: {  	_ =	shalt  }
0x54: {  	_ =	shalt  }
0x55: {  	_ =	shalt  }
0x56: {  	_ =	shalt  }
0x57: {  	_ =	shalt  }
0x58: {  	_ =	shalt  }
0x59: {  	_ =	shalt  }
0x5a: {  	_ =	shalt  }
0x5b: {  	_ =	shalt  }
0x5c: {  	_ =	shalt  }
0x5d: {  	_ =	shalt  }
0x5e: {  	_ =	shalt  }
0x5f: {  	_ =	shalt  }
0x60: {  	_ =	shalt  }
0x61: {  	_ =	shalt  }
0x62: {  	_ =	shalt  }
0x63: {  	_ =	shalt  }
0x64: {  	_ =	shalt  }
0x65: {  	_ =	shalt  }
0x66: {  	_ =	shalt  }
0x67: {  	_ =	shalt  }
0x68: {  	_ =	shalt  }
0x69: {  	_ =	shalt  }
0x6a: {  	_ =	shalt  }
0x6b: {  	_ =	shalt  }
0x6c: {  	_ =	shalt  }
0x6d: {  	_ =	shalt  }
0x6e: {  	_ =	shalt  }
0x6f: {  	_ =	shalt  }
0x70: {  	_ =	shalt  }
0x71: {  	_ =	shalt  }
0x72: {  	_ =	shalt  }
0x73: {  	_ =	shalt  }
0x74: {  	_ =	shalt  }
0x75: {  	_ =	shalt  }
0x76: {  	_ =	shalt  }
0x77: {  	_ =	shalt  }
0x78: {  	_ =	shalt  }
0x79: {  	_ =	shalt  }
0x7a: {  	_ =	shalt  }
0x7b: {  	_ =	shalt  }
0x7c: {  	_ =	shalt  }
0x7d: {  	_ =	shalt  }
0x7e: {  	_ =	shalt  }
0x7f: {  	_ =	shalt  }
0x80: {  	_ =	shalt  }
0x81: {  	_ =	shalt  }
0x82: {  	_ =	shalt  }
0x83: {  	_ =	shalt  }
0x84: {  	_ =	shalt  }
0x85: {  	_ =	shalt  }
0x86: {  	_ =	shalt  }
0x87: {  	_ =	shalt  }
.Lfunc_end0:
.L_simem_size_0:
called_computation_lowered:
.L_overlay_start_0:
0x88: {  	s2 =	sld [smem:$0x3FD9]  }
0x89: {  	s3 =	sld [smem:$0x3FFE];
	_ =	sdelay $0x1  }
0x8a: {  	s1 =	srdreg.scid  }
0x8b: {  	s0 =	sand.u32 $0x1, s1  }
0x8c: {  	s17 =	sshll.u32 s0, $0xA;
	s2 =	sadd.s32 s3, s2  }
0x8d: {  	s2 =	sadd.s32 s2, s17  }
0x8e: {  	[smem:$0x3FBF] =	sst s2  }
0x8f: {  	_ = 	snop  }
0x90: {  	s18 =	sld [smem:$0x3FC8];
	(tm) =	ssettm $0x1  }
0x91: {  	s19 =	sld [smem:$0x3FFB];
	_ =	sdelay $0x3  }
0x92: {  	_ =	strace s19  }
0x93: {  	s2 =	sld [smem:$0x3FFC];
	_ =	sdelay $0x3  }
0x94: {  	_ =	strace s2  }
0x95: {  	s2 =	sld [smem:$0x3FFD];
	_ =	sdelay $0x3  }
0x96: {  	_ =	strace s2  }
0x97: {  	_ =	strace $0x8FFFFFFF  }
0x98: {  	s20 =	sld [smem:$0x3FDB];
	_ =	sdelay $0x1  }
0x99: {  	s4 =	simm.s32 $_scs_section_size  }
0x9a: {  	s5 =	simm.s32 $_size__tile_overlayer_lowered;
	s6 =	simm.s32 $_tile_overlayer_lowered  }
0x9b: {  	s7 =	simm.s32 $0x1BFF;
	s21 =	sshll.u32 s6, $0x1;
	s4 =	sadd.s32 s4, s20  }
0x9c: {  	s22 =	simm.s32 $0x0;
	s5 =	sshll.u32 s5, $0x1;
	s6 =	sadd.s32 s21, s4  }
0x9d: {  	[timem:s22], [sflag:s7] =	dma.local [hbm:s6], s5  }
0x9e: {  	_ =	swait.ge [sflag:s7], s5  }
0x9f: {  	s5 =	ssub.s32 $0x0, s5;
	[sflag:s7] =	ssyncset.done $0x0  }
0xa0: {  	[sflag:s7] =	ssyncadd.s32 s5;
	_ =	sdelay $0x1  }
0xa1: {  	s23 =	simm.s32 $0x1B8B  }
0xa2: {  	_ =	swait.ge [sflag:s23], $0x1  }
0xa3: {  	[sflag:s23] =	ssyncset.done $0x0  }
0xa4: {  	[sflag:s23] =	ssyncadd.s32 $0xFFFFFFFF  }
0xa5: {  	s5 =	sld [smem:$0x0]  }
0xa6: {  	s6 =	sand.u32 $0xFFFFFFFE, s1  }
0xa7: {  	p0 =	sne.s32 s1, s6  }
0xa8: {  	s6 =	sshll.u32 @p0 s6, $0xE  }
0xa9: {  	s6 =	sadd.s32 @p0 $0x11B8D, s6;
	s7 =	sshll.u32 @p0 s5, $0x11  }
0xaa: {  	s6 =	sor.u32 @p0 s7, s6  }
0xab: {  	[sflag:s6] =	ssyncadd.remote.s32 @p0 $0x1;
	_ =	sdelay $0x1  }
0xac: {  	s6 =	simm.s32 @p0 $0x1B8D  }
0xad: {  	_ =	swait.eq @p0 [sflag:s6], $0x1  }
0xae: {  	[sflag:s6] =	ssyncadd.s32 @p0 $0xFFFFFFFF  }
0xaf: {  	s7 =	sshll.u32 @!p0 s1, $0xE  }
0xb0: {  	s7 =	sor.u32 @!p0 $0x4000, s7;
	s6 =	simm.s32 @!p0 $0x1B8D  }
0xb1: {  	s5 =	sshll.u32 @!p0 s5, $0x11;
	s7 =	sadd.s32 @!p0 $0x11B8D, s7;
	_ =	swait.eq @!p0 [sflag:s6], $0x1  }
0xb2: {  	s5 =	sor.u32 @!p0 s5, s7;
	[sflag:s6] =	ssyncadd.s32 @!p0 $0xFFFFFFFF  }
0xb3: {  	s25 =	simm.s32 $0x1B8E;
	s24 =	sld [smem:$0x3FFE];
	[sflag:s5] =	ssyncadd.remote.s32 @!p0 $0x1  }
0xb4: {  	s26 =	simm.s32 $execute0_lowered;
	[smem:$0x3FD2] =	sst s25  }
0xb5: {  	s6 =	sshll.u32 s26, $0x1;
	_ =	strace $0x80000049;
	[dreg:$0x1] =	wrdreg $0xFFFFFFFF  }
0xb6: {  	s28 =	simm.s32 $_size_execute0_lowered;
	s4 =	sadd.s32 s4, s6;
	[dreg:$0x0] =	wrdreg $0x0  }
0xb7: {  	s6 =	sshll.u32 s28, $0x1;
	[dreg:$0x2] =	wrdreg s4  }
0xb8: {  	[dreg:$0x3] =	wrdreg s6  }
0xb9: {  	[dreg:$0x4] =	wrdreg $0xC0  }
0xba: {  	_ =	task [dreg:s22], $0x5FFFF  }
0xbb: {  	[dreg:$0x1] =	wrdreg $0xFFFFFFFF  }
0xbc: {  	[dreg:$0x0] =	wrdreg $0x60  }
0xbd: {  	[dreg:$0x2] =	wrdreg s18  }
0xbe: {  	[dreg:$0x3] =	wrdreg s24  }
0xbf: {  	[dreg:$0x4] =	wrdreg $0x9  }
0xc0: {  	_ =	task.clear_ibuf [dreg:s22], $0x5FFFF;
	_ =	strace $0x90000049  }
0xc1: {  	s29 =	simm.s32 $0x9;
	_ =	strace $0x8000004B  }
0xc2: {  	_ =	swait.ge [sflag:s29], $0x1  }
0xc3: {  	[sflag:s29] =	ssyncadd.s32 $0xFFFFFFFF  }
0xc4: {  	_ =	strace $0x9000004B  }
0xc5: {  	_ =	sfence  }
0xc6: {  	s30 =	sld [smem:$0x0];
	_ =	sdelay $0x2  }
0xc7: {  	s31 =	sshll.u32 s1, $0xD;
	s1 =	sshrl.u32 s1, $0x2  }
0xc8: {  	s4 =	sand.u32 $0x4000, s31;
	s1 =	sadd.s32 s1, s30  }
0xc9: {  	s0 =	sor.u32 s4, s0;
	s1 =	sshll.u32 s1, $0x11  }
0xca: {  	s0 =	sor.u32 s1, s0  }
0xcb: {  	s0 =	sadd.s32 $0x8F2B, s0  }
0xcc: {  	[sflag:s0] =	ssyncadd.remote.s32 $0x1  }
0xcd: {  	_ =	sfence.sel $0xFFFF  }
0xce: {  	[dreg:$0x0] =	wrdreg $0xFFFFFFFF;
	(pc) =	sbr.abs _section_cstart, $3  }
0xcf: {  	[dreg:$0x1] =	wrdreg $0xFFFFFFFF  }
0xd0: {  	_ =	task.clear_ibuf [dreg:s22], $0x2FFFF;
	_ =	strace $0x9FFFFFFF  }
0xd1: {  	(tm) =	ssettm $0x7FFFFFFF  }
tec
execute0_lowered:
.L_overlay_start_1:
0x0: {  	(tag) =	ssettag $0x1  }
0x1: {  	s2 =	rddreg [dreg:$0x0]  }
0x2: {  	s1 =	srdreg.scid;
	s0 =	stileid.u32  }
0x3: {  	s5 =	rddreg [dreg:$0x1];
	s3 =	simm.s32 $0x0;
	s13 =	simm.s32 $0xFA0  }
0x4: {  	s14 =	simm.s32 $0x37A0;
	s15 =	simm.s32 $0x1;
	s16 =	simm.s32 $0x2  }
0x5: {  	s17 =	simm.s32 $0x0;
	s6 =	sand.u32 $0x1, s1;
	s8 =	smul.u32 $0xFA00, s0  }
0x6: {  	s4 =	sshll.u32 s0, $0x1;
	s1 =	rddreg [dreg:$0x2];
	s9 =	smul.u32 $0x1F40, s0  }
0x7: {  	[smem:$0x7FF] =	sst s3;
	s4 =	sor.u32 s6, s4;
	s12 =	smul.u32 $0xFA0, s6  }
0x8: {  	_ =	strace $0x8000004A;
	s10 =	ssub.s32 $0x2, s6;
	s30 =	smul.u32 $0x7D00, s6  }
0x9: {  	s7 =	smul.u32 $0x7D0, s4;
	s4 =	sadd.s32 $0x4E7200, s5;
	s29 =	sshrl.u32 s10, $0x1  }
0xa: {  	s11 =	sadd.s32 s8, s5;
	s9 =	sadd.s32 s9, s5;
	s8 =	ssub.s32 s10, s29  }
0xb: {  	s9 =	sadd.s32 s12, s9;
	s31 =	sadd.s32 s30, s11;
	s7 =	sshrl.u32 s7, $0x3  }
0xc: {  	s11 =	simm.s32 $0x7D0;
	s12 =	simm.s32 $0x50;
	s7 =	sadd.s32 s7, s5  }
0xd: {  	s10 =	simm.s32 $0x3;
	s5 =	sadd.s32 $0x124600, s7;
	s6 =	sadd.s32 $0x122600, s7  }
0xe: {  	s7 =	smax.u32 s8, $0x1;
	s8 =	sadd.s32 $0x126600, s9;
	s9 =	sadd.s32 $0x145A00, s31  }
.LBB2_1:
0xf: {  	[tilespmem:s3], [sflag:$0x3] =	stream.linear.gather [hbm4b:s5+s3], $0x7D0, $0x38;
	[tilespmem:$0x3CA0] =	vst v63  }
0x10: {  	_ =	swait.ge [sflag:s10], $0x7D0  }
0x11: {  	[sflag:s10] =	ssyncset.done $0x0  }
0x12: {  	[sflag:s10] =	ssyncadd.s32 $0xFFFFF830  }
0x13: {  	[tilespmem:s11], [sflag:$0x3] =	stream.linear.gather [hbm4b:s6+s3], $0x7D0, $0x38;
	[tilespmem:$0x3CA0] =	vst v63  }
0x14: {  	_ =	swait.ge [sflag:s10], $0x7D0  }
0x15: {  	[sflag:s10] =	ssyncset.done $0x0  }
0x16: {  	s18 =	simm.s32 $0x0;
	[sflag:s10] =	ssyncadd.s32 $0xFFFFF830  }
0x17: {  	[tilespmem:s13], [sflag:$0x1] =	stream.indirect.gather [hbm4b:s2+s12], $0x80, s18, s12, $0xb8;
	[tilespmem:$0x3CA0] =	vst v63  }
0x18: {  	s31 =	simm.s32 $0x7D0  }
0x19: {  	[tilespmem:s14], [sflag:$0x2] =	stream.indirect.gather [hbm4b:s4+s12], $0x10, s31, s12, $0xb8;
	[tilespmem:$0x3CA0] =	vst v63  }
0x1a: {  	_ =	swait.ge [sflag:s15], $0x2800  }
0x1b: {  	[sflag:s15] =	ssyncset.done $0x0  }
0x1c: {  	[sflag:s15] =	ssyncadd.s32 $0xFFFFD800  }
0x1d: {  	_ =	swait.ge [sflag:s16], $0x500  }
0x1e: {  	[sflag:s16] =	ssyncset.done $0x0  }
0x1f: {  	[sflag:s16] =	ssyncadd.s32 $0xFFFFFB00  }
0x20: {  	[hbm4b:s9+s3] =	stream.linear.scatter [tilespmem:s13], [sflag:$0x3], $0x2800, $0x38;
	[tilespmem:$0x3CA0] =	vst v63  }
0x21: {  	_ =	swait.ge [sflag:s10], $0x2800  }
0x22: {  	[sflag:s10] =	ssyncset.done $0x0  }
0x23: {  	[sflag:s10] =	ssyncadd.s32 $0xFFFFD800  }
0x24: {  	[hbm4b:s8+s3] =	stream.linear.scatter [tilespmem:s14], [sflag:$0x3], $0x500, $0x38;
	[tilespmem:$0x3CA0] =	vst v63  }
0x25: {  	s20 =	simm.s32 $0x140;
	s21 =	simm.s32 $0x280;
	_ =	swait.ge [sflag:s10], $0x500  }
0x26: {  	s19 =	sadd.s32 $0x500, s9;
	s18 =	sadd.s32 $0xA0, s8;
	[sflag:s10] =	ssyncset.done $0x0  }
.LBB2_2:
0x27: {  	s22 =	sshra.s32 s20, $0x2  }
0x28: {  	[sflag:s10] =	ssyncadd.s32 $0xFFFFFB00;
	s20 =	smov.u32 s21;
	s23 =	sadd.s32 $0x140, s21  }
0x29: {  	[tilespmem:s13], [sflag:$0x1] =	stream.indirect.gather [hbm4b:s2+s12], $0x80, s22, s12, $0xb8;
	[tilespmem:$0x3CA0] =	vst v63  }
0x2a: {  	p0 =	sne.s32 s21, $0x1E00;
	s21 =	sadd.s32 $0x7D0, s22  }
0x2b: {  	[tilespmem:s14], [sflag:$0x2] =	stream.indirect.gather [hbm4b:s4+s12], $0x10, s21, s12, $0xb8;
	[tilespmem:$0x3CA0] =	vst v63  }
0x2c: {  	_ =	swait.ge [sflag:s15], $0x2800  }
0x2d: {  	[sflag:s15] =	ssyncset.done $0x0  }
0x2e: {  	[sflag:s15] =	ssyncadd.s32 $0xFFFFD800  }
0x2f: {  	_ =	swait.ge [sflag:s16], $0x500  }
0x30: {  	[sflag:s16] =	ssyncset.done $0x0  }
0x31: {  	[sflag:s16] =	ssyncadd.s32 $0xFFFFFB00  }
0x32: {  	[hbm4b:s19+s3] =	stream.linear.scatter [tilespmem:s13], [sflag:$0x3], $0x2800, $0x38;
	[tilespmem:$0x3CA0] =	vst v63  }
0x33: {  	_ =	swait.ge [sflag:s10], $0x2800  }
.Ltmp0:
0x34: {  	[sflag:s10] =	ssyncset.done $0x0;
	(pc) =	sbr.rel @p0 .LBB2_2-.Ltmp0, $4  }
0x35: {  	[sflag:s10] =	ssyncadd.s32 $0xFFFFD800  }
0x36: {  	[hbm4b:s18+s3] =	stream.linear.scatter [tilespmem:s14], [sflag:$0x3], $0x500, $0x38;
	[tilespmem:$0x3CA0] =	vst v63  }
0x37: {  	s21 =	smov.u32 s23;
	_ =	swait.ge [sflag:s10], $0x500  }
0x38: {  	s19 =	sadd.s32 $0x500, s19;
	s18 =	sadd.s32 $0xA0, s18;
	[sflag:s10] =	ssyncset.done $0x0  }
0x39: {  	s20 =	sshra.s32 s20, $0x2;
	[sflag:s10] =	ssyncadd.s32 $0xFFFFFB00  }
0x3a: {  	[tilespmem:s13], [sflag:$0x1] =	stream.indirect.gather [hbm4b:s2+s12], $0x80, s20, s12, $0xb8;
	[tilespmem:$0x3CA0] =	vst v63  }
0x3b: {  	s20 =	sadd.s32 $0x7D0, s20  }
0x3c: {  	[tilespmem:s14], [sflag:$0x2] =	stream.indirect.gather [hbm4b:s4+s12], $0x10, s20, s12, $0xb8;
	[tilespmem:$0x3CA0] =	vst v63  }
0x3d: {  	_ =	swait.ge [sflag:s15], $0x2800  }
0x3e: {  	[sflag:s15] =	ssyncset.done $0x0  }
0x3f: {  	[sflag:s15] =	ssyncadd.s32 $0xFFFFD800  }
0x40: {  	_ =	swait.ge [sflag:s16], $0x500  }
0x41: {  	[sflag:s16] =	ssyncset.done $0x0  }
0x42: {  	[sflag:s16] =	ssyncadd.s32 $0xFFFFFB00  }
0x43: {  	[hbm4b:s19+s3] =	stream.linear.scatter [tilespmem:s13], [sflag:$0x3], $0x2800, $0x38;
	[tilespmem:$0x3CA0] =	vst v63  }
0x44: {  	s17 =	sadd.s32 $0x1, s17;
	_ =	swait.ge [sflag:s10], $0x2800  }
0x45: {  	p0 =	sne.s32 s17, s7;
	[sflag:s10] =	ssyncset.done $0x0  }
.Ltmp1:
0x46: {  	[sflag:s10] =	ssyncadd.s32 $0xFFFFD800;
	(pc) =	sbr.rel @p0 .LBB2_1-.Ltmp1, $4  }
0x47: {  	[hbm4b:s18+s3] =	stream.linear.scatter [tilespmem:s14], [sflag:$0x3], $0x500, $0x38;
	[tilespmem:$0x3CA0] =	vst v63  }
0x48: {  	_ =	swait.ge [sflag:s10], $0x500  }
0x49: {  	[sflag:s10] =	ssyncset.done $0x0  }
0x4a: {  	[sflag:s10] =	ssyncadd.s32 $0xFFFFFB00  }
0x4b: {  	_ =	sfence.sel $0x180000  }
0x4c: {  	[bflag:$0x0] =	sbarrier.arrive $0xFFFF  }
0x4d: {  	p0 =	sne.s32 s0, $0x0;
	_ =	strace $0x9000004A  }
0x4e: {  	s0 =	sadd.s32 @!p0 $0x100000, s1;
	[bflag:$0x2] =	sbarrier.arrive $0xFFFF  }
0x4f: {  	[sflag:s0] =	ssyncadd.tile.s32 @!p0 $0x1;
	_ =	shalt  }
.Lfunc_end2:
_tile_overlayer_lowered:
.L_overlay_start_2:
0x50: {  	(tag) =	ssettag $0x2  }
0x51: {  	s0 =	rddreg [dreg:$0x0];
	s2 =	stileid.u32  }
0x52: {  	s1 =	rddreg [dreg:$0x1];
	p0 =	sne.s32 s2, $0x0  }
0x53: {  	s3 =	rddreg [dreg:$0x2];
	[bflag:$0x3] =	sbarrier.arrive $0xFFFF;
	s2 =	simm.s32 @!p0 $0x1C03  }
0x54: {  	[timem:s3], [sflag:s2] =	dma.local @!p0 [hbm:s0], s1  }
0x55: {  	s0 =	simm.s32 @!p0 $0x3  }
0x56: {  	_ =	swait.ge @!p0 [sflag:s0], s1  }
0x57: {  	s1 =	ssub.s32 @!p0 $0x0, s1;
	[sflag:s0] =	ssyncset.done @!p0 $0x0  }
0x58: {  	[sflag:s0] =	ssyncadd.s32 @!p0 s1  }
0x59: {  	[bflag:$0x3] =	sbarrier.arrive $0xFFFF  }
0x5a: {  	_ =	shalt  }

// kernel: kernel.15.cloned.1.call-start
scs
__scs_entry_jumppad:
0x0: {  	(pc) =	sbr.rel $0x88, $3  }
0x1: {  	(tag) =	ssettag $0x0;
	lr =	simm.s32 $0x1  }
0x2: {  	[smem:$0x3F98] =	sst lr;
	_ =	strace $0xD0000000  }
0x3: {  	_ = 	snop  }
0x4: {  	_ = 	snop  }
0x5: {  	_ = 	snop  }
0x6: {  	_ = 	snop  }
0x7: {  	_ = 	snop  }
__scs_overlays_trampoline_lowered:
0x8: {  	[smem:$0x3FA7] =	sst s0  }
0x9: {  	[smem:$0x3FA8] =	sst s1  }
0xa: {  	[smem:$0x3FA9] =	sst s2  }
0xb: {  	[smem:$0x3FAA] =	sst s3  }
0xc: {  	[smem:$0x3FAB] =	sst s4  }
0xd: {  	[smem:$0x3FAC] =	sst s5  }
0xe: {  	[smem:$0x3FAD] =	sst s6  }
0xf: {  	[smem:$0x3FAE] =	sst s7  }
0x10: {  	[smem:$0x3FAF] =	sst s8  }
0x11: {  	[smem:$0x3FB0] =	sst s9;
	s0 =	simm.s32 @!p0 $0x0  }
0x12: {  	s1 =	sld [smem:$0x3F96];
	s0 =	simm.s32 @p0 $0x1  }
0x13: {  	[smem:$0x3FB1] =	sst s0;
	s0 =	simm.s32 @!p1 $0x0  }
0x14: {  	s2 =	sld [smem:$0x3F95];
	s0 =	simm.s32 @p1 $0x1  }
0x15: {  	[smem:$0x3FB2] =	sst s0;
	s0 =	simm.s32 @!p2 $0x0  }
0x16: {  	s3 =	sld [smem:$0x3FDB];
	s0 =	simm.s32 @p2 $0x1  }
0x17: {  	s4 =	simm.s32 $0x1BF5;
	[smem:$0x3FB4] =	sst s0  }
0x18: {  	s0 =	sld [smem:$0x3F97];
	_ =	swait.ge [sflag:s4], $0x0  }
0x19: {  	s7 =	sld [smem:$0x3F98]  }
0x1a: {  	s8 =	sadd.s32 $0xFFFFE003, lr  }
0x1b: {  	s9 =	sadd.s32 $0xFFFFFEF7, lr;
	s5 =	simm.s32 $0xFFFFFFFF;
	p2 =	slt.u32 s8, $0xFFFFF086  }
0x1c: {  	p1 =	slt.u32 s9, $0xF7A;
	s5 =	simm.s32 @!p2 $0x0  }
0x1d: {  	s5 =	simm.s32 @p1 $0x1;
	p0 =	seq.s32 s7, s2  }
0x1e: {  	s7 =	smul.u32 @!p0 $0xF7A, s2;
	p2 =	seq.s32 @!p0 s5, $0x0  }
0x1f: {  	s9 =	smul.u32 $0xF7A, s1;
	s8 =	simm.s32 @!p0 $0x1BF5;
	p2 =	por !p2, p0  }
0x20: {  	[sflag:s8] =	ssyncset.s32 @!p0 $0xFFFFF086;
	s6 =	sadd.s32 @!p0 s3, s7;
	s7 =	simm.s32 @!p0 $0x108  }
0x21: {  	s3 =	sadd.s32 s3, s9;
	s6 =	sadd.s32 @!p0 $0x88, s6;
	s7 =	simm.s32 @p2 $0x1082  }
0x22: {  	[simem:s7], [sflag:s8] =	dma.local @!p0 [hbm:s6], $0xF7A  }
0x23: {  	s9 =	sor.u32 $0xD0000000, s2;
	s6 =	simm.s32 $0x108;
	_ =	swait.ge @!p0 [sflag:s8], $0x0  }
0x24: {  	s3 =	sadd.s32 $0x88, s3;
	s6 =	simm.s32 @!p1 $0x1082;
	[sflag:s4] =	ssyncset.s32 $0xFFFFF086  }
0x25: {  	[simem:s6], [sflag:s4] =	dma.local [hbm:s3], $0xF7A  }
0x26: {  	[smem:$0x3F98] =	sst s1;
	(tag) =	ssettag s2;
	_ =	strace s9  }
0x27: {  	s1 =	sld [smem:$0x3FA8]  }
0x28: {  	s2 =	sld [smem:$0x3FA9]  }
0x29: {  	s4 =	sld [smem:$0x3FAB]  }
0x2a: {  	p0 =	seq.s32 s5, $0x0;
	s5 =	sld [smem:$0x3FAC]  }
0x2b: {  	s6 =	sld [smem:$0x3FAD]  }
0x2c: {  	s7 =	sld [smem:$0x3FAE]  }
0x2d: {  	s3 =	simm.s32 $0x108;
	s8 =	sld [smem:$0x3FAF]  }
0x2e: {  	s3 =	simm.s32 @!p0 $0x1082;
	s9 =	sld [smem:$0x3FB0]  }
0x2f: {  	lr =	sadd.s32 s0, s3;
	s0 =	sld [smem:$0x3FA7]  }
0x30: {  	s3 =	sld [smem:$0x3FAA]  }
0x31: {  	[smem:$0x3FB3] =	sst s10  }
0x32: {  	s10 =	sld [smem:$0x3FB1];
	_ =	sdelay $0x3  }
0x33: {  	p0 =	seq.s32 s10, $0x1;
	s10 =	sld [smem:$0x3FB3];
	_ =	sdelay $0x3  }
0x34: {  	[smem:$0x3FB3] =	sst s10  }
0x35: {  	s10 =	sld [smem:$0x3FB2];
	_ =	sdelay $0x3  }
0x36: {  	p1 =	seq.s32 s10, $0x1;
	s10 =	sld [smem:$0x3FB3];
	_ =	sdelay $0x3  }
0x37: {  	[smem:$0x3FB3] =	sst s10  }
0x38: {  	s10 =	sld [smem:$0x3FB4]  }
0x39: {  	_ = 	snop;
	(pc) =	sbr.ind lr, $3  }
0x3a: {  	_ = 	snop  }
0x3b: {  	_ = 	snop  }
0x3c: {  	p2 =	seq.s32 s10, $0x1;
	s10 =	sld [smem:$0x3FB3]  }
0x3d: {  	_ =	shalt  }
0x3e: {  	_ =	shalt  }
0x3f: {  	_ =	shalt  }
0x40: {  	_ =	shalt  }
0x41: {  	_ =	shalt  }
0x42: {  	_ =	shalt  }
0x43: {  	_ =	shalt  }
0x44: {  	_ =	shalt  }
0x45: {  	_ =	shalt  }
0x46: {  	_ =	shalt  }
0x47: {  	_ =	shalt  }
0x48: {  	_ =	shalt  }
0x49: {  	_ =	shalt  }
0x4a: {  	_ =	shalt  }
0x4b: {  	_ =	shalt  }
0x4c: {  	_ =	shalt  }
0x4d: {  	_ =	shalt  }
0x4e: {  	_ =	shalt  }
0x4f: {  	_ =	shalt  }
0x50: {  	_ =	shalt  }
0x51: {  	_ =	shalt  }
0x52: {  	_ =	shalt  }
0x53: {  	_ =	shalt  }
0x54: {  	_ =	shalt  }
0x55: {  	_ =	shalt  }
0x56: {  	_ =	shalt  }
0x57: {  	_ =	shalt  }
0x58: {  	_ =	shalt  }
0x59: {  	_ =	shalt  }
0x5a: {  	_ =	shalt  }
0x5b: {  	_ =	shalt  }
0x5c: {  	_ =	shalt  }
0x5d: {  	_ =	shalt  }
0x5e: {  	_ =	shalt  }
0x5f: {  	_ =	shalt  }
0x60: {  	_ =	shalt  }
0x61: {  	_ =	shalt  }
0x62: {  	_ =	shalt  }
0x63: {  	_ =	shalt  }
0x64: {  	_ =	shalt  }
0x65: {  	_ =	shalt  }
0x66: {  	_ =	shalt  }
0x67: {  	_ =	shalt  }
0x68: {  	_ =	shalt  }
0x69: {  	_ =	shalt  }
0x6a: {  	_ =	shalt  }
0x6b: {  	_ =	shalt  }
0x6c: {  	_ =	shalt  }
0x6d: {  	_ =	shalt  }
0x6e: {  	_ =	shalt  }
0x6f: {  	_ =	shalt  }
0x70: {  	_ =	shalt  }
0x71: {  	_ =	shalt  }
0x72: {  	_ =	shalt  }
0x73: {  	_ =	shalt  }
0x74: {  	_ =	shalt  }
0x75: {  	_ =	shalt  }
0x76: {  	_ =	shalt  }
0x77: {  	_ =	shalt  }
0x78: {  	_ =	shalt  }
0x79: {  	_ =	shalt  }
0x7a: {  	_ =	shalt  }
0x7b: {  	_ =	shalt  }
0x7c: {  	_ =	shalt  }
0x7d: {  	_ =	shalt  }
0x7e: {  	_ =	shalt  }
0x7f: {  	_ =	shalt  }
0x80: {  	_ =	shalt  }
0x81: {  	_ =	shalt  }
0x82: {  	_ =	shalt  }
0x83: {  	_ =	shalt  }
0x84: {  	_ =	shalt  }
0x85: {  	_ =	shalt  }
0x86: {  	_ =	shalt  }
0x87: {  	_ =	shalt  }
.Lfunc_end0:
.L_simem_size_0:
called_computation.1_lowered:
.L_overlay_start_0:
0x88: {  	s2 =	sld [smem:$0x3FD9]  }
0x89: {  	s3 =	sld [smem:$0x3FFE];
	_ =	sdelay $0x1  }
0x8a: {  	s1 =	srdreg.scid  }
0x8b: {  	s0 =	sand.u32 $0x1, s1  }
0x8c: {  	s17 =	sshll.u32 s0, $0xA;
	s2 =	sadd.s32 s3, s2  }
0x8d: {  	s2 =	sadd.s32 s2, s17  }
0x8e: {  	[smem:$0x3FBF] =	sst s2  }
0x8f: {  	_ = 	snop  }
0x90: {  	s2 =	sld [smem:$0x3FC8];
	(tm) =	ssettm $0x1  }
0x91: {  	s18 =	sld [smem:$0x3FFB];
	_ =	sdelay $0x3  }
0x92: {  	_ =	strace s18  }
0x93: {  	s3 =	sld [smem:$0x3FFC];
	_ =	sdelay $0x3  }
0x94: {  	_ =	strace s3  }
0x95: {  	s3 =	sld [smem:$0x3FFD];
	_ =	sdelay $0x3  }
0x96: {  	_ =	strace s3  }
0x97: {  	_ =	strace $0x8FFFFFFF  }
0x98: {  	s19 =	sld [smem:$0x3FDB];
	_ =	sdelay $0x1  }
0x99: {  	s4 =	simm.s32 $_scs_section_size  }
0x9a: {  	s5 =	simm.s32 $_size__tile_overlayer_lowered;
	s6 =	simm.s32 $_tile_overlayer_lowered  }
0x9b: {  	s22 =	simm.s32 $0x1BFF;
	s21 =	sshll.u32 s6, $0x1;
	s3 =	sadd.s32 s4, s19  }
0x9c: {  	s7 =	simm.s32 $0x0;
	s20 =	sshll.u32 s5, $0x1;
	s5 =	sadd.s32 s21, s3  }
0x9d: {  	[timem:s7], [sflag:s22] =	dma.local [hbm:s5], s20  }
0x9e: {  	_ =	swait.ge [sflag:s22], s20  }
0x9f: {  	s4 =	ssub.s32 $0x0, s20;
	[sflag:s22] =	ssyncset.done $0x0  }
0xa0: {  	[sflag:s22] =	ssyncadd.s32 s4;
	_ =	sdelay $0x1  }
0xa1: {  	s23 =	simm.s32 $0x1B8B  }
0xa2: {  	_ =	swait.ge [sflag:s23], $0x1  }
0xa3: {  	[sflag:s23] =	ssyncset.done $0x0  }
0xa4: {  	s25 =	simm.s32 $0x1B8E;
	s24 =	sld [smem:$0x3FFE];
	[sflag:s23] =	ssyncadd.s32 $0xFFFFFFFF  }
0xa5: {  	s26 =	simm.s32 $execute0_lowered;
	[smem:$0x3FD2] =	sst s25  }
0xa6: {  	s5 =	sshll.u32 s26, $0x1;
	_ =	strace $0x80000046;
	[dreg:$0x1] =	wrdreg $0xFFFFFFFF  }
0xa7: {  	s28 =	simm.s32 $_size_execute0_lowered;
	s3 =	sadd.s32 s3, s5;
	[dreg:$0x0] =	wrdreg $0x0  }
0xa8: {  	s5 =	sshll.u32 s28, $0x1;
	[dreg:$0x2] =	wrdreg s3  }
0xa9: {  	[dreg:$0x3] =	wrdreg s5  }
0xaa: {  	[dreg:$0x4] =	wrdreg $0xC0  }
0xab: {  	_ =	task [dreg:s7], $0x5FFFF  }
0xac: {  	[dreg:$0x1] =	wrdreg $0xFFFFFFFF  }
0xad: {  	[dreg:$0x0] =	wrdreg $0x60  }
0xae: {  	[dreg:$0x2] =	wrdreg s2  }
0xaf: {  	[dreg:$0x3] =	wrdreg s24  }
0xb0: {  	[dreg:$0x4] =	wrdreg $0xA  }
0xb1: {  	_ =	task.clear_ibuf [dreg:s7], $0x5FFFF;
	_ =	strace $0x90000046  }
0xb2: {  	s29 =	simm.s32 $0xA;
	_ =	strace $0x80000048  }
0xb3: {  	_ =	swait.ge [sflag:s29], $0x1  }
0xb4: {  	[sflag:s29] =	ssyncadd.s32 $0xFFFFFFFF  }
0xb5: {  	_ =	strace $0x90000048  }
0xb6: {  	_ =	sfence  }
0xb7: {  	s30 =	sld [smem:$0x0];
	_ =	sdelay $0x2  }
0xb8: {  	s31 =	sshll.u32 s1, $0xD;
	s1 =	sshrl.u32 s1, $0x2  }
0xb9: {  	s3 =	sand.u32 $0x4000, s31;
	s1 =	sadd.s32 s1, s30  }
0xba: {  	s0 =	sor.u32 s3, s0;
	s1 =	sshll.u32 s1, $0x11  }
0xbb: {  	s0 =	sor.u32 s1, s0  }
0xbc: {  	s0 =	sadd.s32 $0x8F2B, s0  }
0xbd: {  	[sflag:s0] =	ssyncadd.remote.s32 $0x1  }
0xbe: {  	_ =	sfence.sel $0xFFFF  }
0xbf: {  	[dreg:$0x0] =	wrdreg $0xFFFFFFFF;
	(pc) =	sbr.abs _section_cstart, $3  }
0xc0: {  	[dreg:$0x1] =	wrdreg $0xFFFFFFFF  }
0xc1: {  	_ =	task.clear_ibuf [dreg:s7], $0x2FFFF;
	_ =	strace $0x9FFFFFFF  }
0xc2: {  	(tm) =	ssettm $0x7FFFFFFF  }
0xc3: {  	_ =	shalt  }
tec
execute0_lowered:
.L_overlay_start_1:
0x0: {  	(tag) =	ssettag $0x1  }
0x1: {  	s2 =	rddreg [dreg:$0x0]  }
0x2: {  	s1 =	srdreg.scid;
	s0 =	stileid.u32  }
0x3: {  	s5 =	rddreg [dreg:$0x1];
	s3 =	simm.s32 $0x0;
	s13 =	simm.s32 $0xFA0  }
0x4: {  	s14 =	simm.s32 $0x37A0;
	s15 =	simm.s32 $0x1;
	s16 =	simm.s32 $0x2  }
0x5: {  	s17 =	simm.s32 $0x0;
	s6 =	sand.u32 $0x1, s1;
	s8 =	smul.u32 $0xFA00, s0  }
0x6: {  	s4 =	sshll.u32 s0, $0x1;
	s1 =	rddreg [dreg:$0x2];
	s9 =	smul.u32 $0x1F40, s0  }
0x7: {  	[smem:$0x7FF] =	sst s3;
	s4 =	sor.u32 s6, s4;
	s12 =	smul.u32 $0xFA0, s6  }
0x8: {  	_ =	strace $0x80000047;
	s10 =	ssub.s32 $0x2, s6;
	s30 =	smul.u32 $0x7D00, s6  }
0x9: {  	s7 =	smul.u32 $0x7D0, s4;
	s4 =	sadd.s32 $0x4E7200, s5;
	s29 =	sshrl.u32 s10, $0x1  }
0xa: {  	s11 =	sadd.s32 s8, s5;
	s9 =	sadd.s32 s9, s5;
	s8 =	ssub.s32 s10, s29  }
0xb: {  	s9 =	sadd.s32 s12, s9;
	s31 =	sadd.s32 s30, s11;
	s7 =	sshrl.u32 s7, $0x3  }
0xc: {  	s10 =	simm.s32 $0x3;
	s11 =	simm.s32 $0x7D0;
	s7 =	sadd.s32 s7, s5  }
0xd: {  	s12 =	simm.s32 $0x50;
	s5 =	sadd.s32 $0x7200, s7;
	s6 =	sadd.s32 $0x5200, s7  }
0xe: {  	s7 =	smax.u32 s8, $0x1;
	s8 =	sadd.s32 $0x9200, s9;
	s9 =	sadd.s32 $0x28600, s31  }
.LBB2_1:
0xf: {  	[tilespmem:s3], [sflag:$0x3] =	stream.linear.gather [hbm4b:s5+s3], $0x7D0, $0x38;
	[tilespmem:$0x3CA0] =	vst v63  }
0x10: {  	_ =	swait.ge [sflag:s10], $0x7D0  }
0x11: {  	[sflag:s10] =	ssyncset.done $0x0  }
0x12: {  	[sflag:s10] =	ssyncadd.s32 $0xFFFFF830  }
0x13: {  	[tilespmem:s11], [sflag:$0x3] =	stream.linear.gather [hbm4b:s6+s3], $0x7D0, $0x38;
	[tilespmem:$0x3CA0] =	vst v63  }
0x14: {  	_ =	swait.ge [sflag:s10], $0x7D0  }
0x15: {  	[sflag:s10] =	ssyncset.done $0x0  }
0x16: {  	s18 =	simm.s32 $0x0;
	[sflag:s10] =	ssyncadd.s32 $0xFFFFF830  }
0x17: {  	[tilespmem:s13], [sflag:$0x1] =	stream.indirect.gather [hbm4b:s2+s12], $0x80, s18, s12, $0xb8;
	[tilespmem:$0x3CA0] =	vst v63  }
0x18: {  	s31 =	simm.s32 $0x7D0  }
0x19: {  	[tilespmem:s14], [sflag:$0x2] =	stream.indirect.gather [hbm4b:s4+s12], $0x10, s31, s12, $0xb8;
	[tilespmem:$0x3CA0] =	vst v63  }
0x1a: {  	_ =	swait.ge [sflag:s15], $0x2800  }
0x1b: {  	[sflag:s15] =	ssyncset.done $0x0  }
0x1c: {  	[sflag:s15] =	ssyncadd.s32 $0xFFFFD800  }
0x1d: {  	_ =	swait.ge [sflag:s16], $0x500  }
0x1e: {  	[sflag:s16] =	ssyncset.done $0x0  }
0x1f: {  	[sflag:s16] =	ssyncadd.s32 $0xFFFFFB00  }
0x20: {  	[hbm4b:s9+s3] =	stream.linear.scatter [tilespmem:s13], [sflag:$0x3], $0x2800, $0x38;
	[tilespmem:$0x3CA0] =	vst v63  }
0x21: {  	_ =	swait.ge [sflag:s10], $0x2800  }
0x22: {  	[sflag:s10] =	ssyncset.done $0x0  }
0x23: {  	[sflag:s10] =	ssyncadd.s32 $0xFFFFD800  }
0x24: {  	[hbm4b:s8+s3] =	stream.linear.scatter [tilespmem:s14], [sflag:$0x3], $0x500, $0x38;
	[tilespmem:$0x3CA0] =	vst v63  }
0x25: {  	s20 =	simm.s32 $0x140;
	s21 =	simm.s32 $0x280;
	_ =	swait.ge [sflag:s10], $0x500  }
0x26: {  	s19 =	sadd.s32 $0x500, s9;
	s18 =	sadd.s32 $0xA0, s8;
	[sflag:s10] =	ssyncset.done $0x0  }
.LBB2_2:
0x27: {  	s22 =	sshra.s32 s20, $0x2  }
0x28: {  	[sflag:s10] =	ssyncadd.s32 $0xFFFFFB00;
	s20 =	smov.u32 s21;
	s23 =	sadd.s32 $0x140, s21  }
0x29: {  	[tilespmem:s13], [sflag:$0x1] =	stream.indirect.gather [hbm4b:s2+s12], $0x80, s22, s12, $0xb8;
	[tilespmem:$0x3CA0] =	vst v63  }
0x2a: {  	p0 =	sne.s32 s21, $0x1E00;
	s21 =	sadd.s32 $0x7D0, s22  }
0x2b: {  	[tilespmem:s14], [sflag:$0x2] =	stream.indirect.gather [hbm4b:s4+s12], $0x10, s21, s12, $0xb8;
	[tilespmem:$0x3CA0] =	vst v63  }
0x2c: {  	_ =	swait.ge [sflag:s15], $0x2800  }
0x2d: {  	[sflag:s15] =	ssyncset.done $0x0  }
0x2e: {  	[sflag:s15] =	ssyncadd.s32 $0xFFFFD800  }
0x2f: {  	_ =	swait.ge [sflag:s16], $0x500  }
0x30: {  	[sflag:s16] =	ssyncset.done $0x0  }
0x31: {  	[sflag:s16] =	ssyncadd.s32 $0xFFFFFB00  }
0x32: {  	[hbm4b:s19+s3] =	stream.linear.scatter [tilespmem:s13], [sflag:$0x3], $0x2800, $0x38;
	[tilespmem:$0x3CA0] =	vst v63  }
0x33: {  	_ =	swait.ge [sflag:s10], $0x2800  }
.Ltmp0:
0x34: {  	[sflag:s10] =	ssyncset.done $0x0;
	(pc) =	sbr.rel @p0 .LBB2_2-.Ltmp0, $4  }
0x35: {  	[sflag:s10] =	ssyncadd.s32 $0xFFFFD800  }
0x36: {  	[hbm4b:s18+s3] =	stream.linear.scatter [tilespmem:s14], [sflag:$0x3], $0x500, $0x38;
	[tilespmem:$0x3CA0] =	vst v63  }
0x37: {  	s21 =	smov.u32 s23;
	_ =	swait.ge [sflag:s10], $0x500  }
0x38: {  	s19 =	sadd.s32 $0x500, s19;
	s18 =	sadd.s32 $0xA0, s18;
	[sflag:s10] =	ssyncset.done $0x0  }
0x39: {  	s20 =	sshra.s32 s20, $0x2;
	[sflag:s10] =	ssyncadd.s32 $0xFFFFFB00  }
0x3a: {  	[tilespmem:s13], [sflag:$0x1] =	stream.indirect.gather [hbm4b:s2+s12], $0x80, s20, s12, $0xb8;
	[tilespmem:$0x3CA0] =	vst v63  }
0x3b: {  	s20 =	sadd.s32 $0x7D0, s20  }
0x3c: {  	[tilespmem:s14], [sflag:$0x2] =	stream.indirect.gather [hbm4b:s4+s12], $0x10, s20, s12, $0xb8;
	[tilespmem:$0x3CA0] =	vst v63  }
0x3d: {  	_ =	swait.ge [sflag:s15], $0x2800  }
0x3e: {  	[sflag:s15] =	ssyncset.done $0x0  }
0x3f: {  	[sflag:s15] =	ssyncadd.s32 $0xFFFFD800  }
0x40: {  	_ =	swait.ge [sflag:s16], $0x500  }
0x41: {  	[sflag:s16] =	ssyncset.done $0x0  }
0x42: {  	[sflag:s16] =	ssyncadd.s32 $0xFFFFFB00  }
0x43: {  	[hbm4b:s19+s3] =	stream.linear.scatter [tilespmem:s13], [sflag:$0x3], $0x2800, $0x38;
	[tilespmem:$0x3CA0] =	vst v63  }
0x44: {  	s17 =	sadd.s32 $0x1, s17;
	_ =	swait.ge [sflag:s10], $0x2800  }
0x45: {  	p0 =	sne.s32 s17, s7;
	[sflag:s10] =	ssyncset.done $0x0  }
.Ltmp1:
0x46: {  	[sflag:s10] =	ssyncadd.s32 $0xFFFFD800;
	(pc) =	sbr.rel @p0 .LBB2_1-.Ltmp1, $4  }
0x47: {  	[hbm4b:s18+s3] =	stream.linear.scatter [tilespmem:s14], [sflag:$0x3], $0x500, $0x38;
	[tilespmem:$0x3CA0] =	vst v63  }
0x48: {  	_ =	swait.ge [sflag:s10], $0x500  }
0x49: {  	[sflag:s10] =	ssyncset.done $0x0  }
0x4a: {  	[sflag:s10] =	ssyncadd.s32 $0xFFFFFB00  }
0x4b: {  	_ =	sfence.sel $0x180000  }
0x4c: {  	[bflag:$0x0] =	sbarrier.arrive $0xFFFF  }
0x4d: {  	p0 =	sne.s32 s0, $0x0;
	_ =	strace $0x90000047  }
0x4e: {  	s0 =	sadd.s32 @!p0 $0x100000, s1;
	[bflag:$0x2] =	sbarrier.arrive $0xFFFF  }
0x4f: {  	[sflag:s0] =	ssyncadd.tile.s32 @!p0 $0x1;
	_ =	shalt  }
.Lfunc_end2:
_tile_overlayer_lowered:
.L_overlay_start_2:
0x50: {  	(tag) =	ssettag $0x2  }
0x51: {  	s0 =	rddreg [dreg:$0x0];
	s2 =	stileid.u32  }
0x52: {  	s1 =	rddreg [dreg:$0x1];
	p0 =	sne.s32 s2, $0x0  }
0x53: {  	s3 =	rddreg [dreg:$0x2];
	[bflag:$0x3] =	sbarrier.arrive $0xFFFF;
	s2 =	simm.s32 @!p0 $0x1C03  }
0x54: {  	[timem:s3], [sflag:s2] =	dma.local @!p0 [hbm:s0], s1  }
0x55: {  	s0 =	simm.s32 @!p0 $0x3  }
0x56: {  	_ =	swait.ge @!p0 [sflag:s0], s1  }
0x57: {  	s1 =	ssub.s32 @!p0 $0x0, s1;
	[sflag:s0] =	ssyncset.done @!p0 $0x0  }
0x58: {  	[sflag:s0] =	ssyncadd.s32 @!p0 s1  }
0x59: {  	[bflag:$0x3] =	sbarrier.arrive $0xFFFF  }
0x5a: {  	_ =	shalt  }

// kernel: kernel.18.cloned.1.call-start
scs
__scs_entry_jumppad:
0x0: {  	(pc) =	sbr.rel $0x88, $3  }
0x1: {  	(tag) =	ssettag $0x0;
	lr =	simm.s32 $0x1  }
0x2: {  	[smem:$0x3F98] =	sst lr;
	_ =	strace $0xD0000000  }
0x3: {  	_ = 	snop  }
0x4: {  	_ = 	snop  }
0x5: {  	_ = 	snop  }
0x6: {  	_ = 	snop  }
0x7: {  	_ = 	snop  }
__scs_overlays_trampoline_lowered:
0x8: {  	[smem:$0x3FA7] =	sst s0  }
0x9: {  	[smem:$0x3FA8] =	sst s1  }
0xa: {  	[smem:$0x3FA9] =	sst s2  }
0xb: {  	[smem:$0x3FAA] =	sst s3  }
0xc: {  	[smem:$0x3FAB] =	sst s4  }
0xd: {  	[smem:$0x3FAC] =	sst s5  }
0xe: {  	[smem:$0x3FAD] =	sst s6  }
0xf: {  	[smem:$0x3FAE] =	sst s7  }
0x10: {  	[smem:$0x3FAF] =	sst s8  }
0x11: {  	[smem:$0x3FB0] =	sst s9;
	s0 =	simm.s32 @!p0 $0x0  }
0x12: {  	s1 =	sld [smem:$0x3F96];
	s0 =	simm.s32 @p0 $0x1  }
0x13: {  	[smem:$0x3FB1] =	sst s0;
	s0 =	simm.s32 @!p1 $0x0  }
0x14: {  	s2 =	sld [smem:$0x3F95];
	s0 =	simm.s32 @p1 $0x1  }
0x15: {  	[smem:$0x3FB2] =	sst s0;
	s0 =	simm.s32 @!p2 $0x0  }
0x16: {  	s3 =	sld [smem:$0x3FDB];
	s0 =	simm.s32 @p2 $0x1  }
0x17: {  	s4 =	simm.s32 $0x1BF5;
	[smem:$0x3FB4] =	sst s0  }
0x18: {  	s0 =	sld [smem:$0x3F97];
	_ =	swait.ge [sflag:s4], $0x0  }
0x19: {  	s7 =	sld [smem:$0x3F98]  }
0x1a: {  	s8 =	sadd.s32 $0xFFFFE003, lr  }
0x1b: {  	s9 =	sadd.s32 $0xFFFFFEF7, lr;
	s5 =	simm.s32 $0xFFFFFFFF;
	p2 =	slt.u32 s8, $0xFFFFF086  }
0x1c: {  	p1 =	slt.u32 s9, $0xF7A;
	s5 =	simm.s32 @!p2 $0x0  }
0x1d: {  	s5 =	simm.s32 @p1 $0x1;
	p0 =	seq.s32 s7, s2  }
0x1e: {  	s7 =	smul.u32 @!p0 $0xF7A, s2;
	p2 =	seq.s32 @!p0 s5, $0x0  }
0x1f: {  	s9 =	smul.u32 $0xF7A, s1;
	s8 =	simm.s32 @!p0 $0x1BF5;
	p2 =	por !p2, p0  }
0x20: {  	[sflag:s8] =	ssyncset.s32 @!p0 $0xFFFFF086;
	s6 =	sadd.s32 @!p0 s3, s7;
	s7 =	simm.s32 @!p0 $0x108  }
0x21: {  	s3 =	sadd.s32 s3, s9;
	s6 =	sadd.s32 @!p0 $0x88, s6;
	s7 =	simm.s32 @p2 $0x1082  }
0x22: {  	[simem:s7], [sflag:s8] =	dma.local @!p0 [hbm:s6], $0xF7A  }
0x23: {  	s9 =	sor.u32 $0xD0000000, s2;
	s6 =	simm.s32 $0x108;
	_ =	swait.ge @!p0 [sflag:s8], $0x0  }
0x24: {  	s3 =	sadd.s32 $0x88, s3;
	s6 =	simm.s32 @!p1 $0x1082;
	[sflag:s4] =	ssyncset.s32 $0xFFFFF086  }
0x25: {  	[simem:s6], [sflag:s4] =	dma.local [hbm:s3], $0xF7A  }
0x26: {  	[smem:$0x3F98] =	sst s1;
	(tag) =	ssettag s2;
	_ =	strace s9  }
0x27: {  	s1 =	sld [smem:$0x3FA8]  }
0x28: {  	s2 =	sld [smem:$0x3FA9]  }
0x29: {  	s4 =	sld [smem:$0x3FAB]  }
0x2a: {  	p0 =	seq.s32 s5, $0x0;
	s5 =	sld [smem:$0x3FAC]  }
0x2b: {  	s6 =	sld [smem:$0x3FAD]  }
0x2c: {  	s7 =	sld [smem:$0x3FAE]  }
0x2d: {  	s3 =	simm.s32 $0x108;
	s8 =	sld [smem:$0x3FAF]  }
0x2e: {  	s3 =	simm.s32 @!p0 $0x1082;
	s9 =	sld [smem:$0x3FB0]  }
0x2f: {  	lr =	sadd.s32 s0, s3;
	s0 =	sld [smem:$0x3FA7]  }
0x30: {  	s3 =	sld [smem:$0x3FAA]  }
0x31: {  	[smem:$0x3FB3] =	sst s10  }
0x32: {  	s10 =	sld [smem:$0x3FB1];
	_ =	sdelay $0x3  }
0x33: {  	p0 =	seq.s32 s10, $0x1;
	s10 =	sld [smem:$0x3FB3];
	_ =	sdelay $0x3  }
0x34: {  	[smem:$0x3FB3] =	sst s10  }
0x35: {  	s10 =	sld [smem:$0x3FB2];
	_ =	sdelay $0x3  }
0x36: {  	p1 =	seq.s32 s10, $0x1;
	s10 =	sld [smem:$0x3FB3];
	_ =	sdelay $0x3  }
0x37: {  	[smem:$0x3FB3] =	sst s10  }
0x38: {  	s10 =	sld [smem:$0x3FB4]  }
0x39: {  	_ = 	snop;
	(pc) =	sbr.ind lr, $3  }
0x3a: {  	_ = 	snop  }
0x3b: {  	_ = 	snop  }
0x3c: {  	p2 =	seq.s32 s10, $0x1;
	s10 =	sld [smem:$0x3FB3]  }
0x3d: {  	_ =	shalt  }
0x3e: {  	_ =	shalt  }
0x3f: {  	_ =	shalt  }
0x40: {  	_ =	shalt  }
0x41: {  	_ =	shalt  }
0x42: {  	_ =	shalt  }
0x43: {  	_ =	shalt  }
0x44: {  	_ =	shalt  }
0x45: {  	_ =	shalt  }
0x46: {  	_ =	shalt  }
0x47: {  	_ =	shalt  }
0x48: {  	_ =	shalt  }
0x49: {  	_ =	shalt  }
0x4a: {  	_ =	shalt  }
0x4b: {  	_ =	shalt  }
0x4c: {  	_ =	shalt  }
0x4d: {  	_ =	shalt  }
0x4e: {  	_ =	shalt  }
0x4f: {  	_ =	shalt  }
0x50: {  	_ =	shalt  }
0x51: {  	_ =	shalt  }
0x52: {  	_ =	shalt  }
0x53: {  	_ =	shalt  }
0x54: {  	_ =	shalt  }
0x55: {  	_ =	shalt  }
0x56: {  	_ =	shalt  }
0x57: {  	_ =	shalt  }
0x58: {  	_ =	shalt  }
0x59: {  	_ =	shalt  }
0x5a: {  	_ =	shalt  }
0x5b: {  	_ =	shalt  }
0x5c: {  	_ =	shalt  }
0x5d: {  	_ =	shalt  }
0x5e: {  	_ =	shalt  }
0x5f: {  	_ =	shalt  }
0x60: {  	_ =	shalt  }
0x61: {  	_ =	shalt  }
0x62: {  	_ =	shalt  }
0x63: {  	_ =	shalt  }
0x64: {  	_ =	shalt  }
0x65: {  	_ =	shalt  }
0x66: {  	_ =	shalt  }
0x67: {  	_ =	shalt  }
0x68: {  	_ =	shalt  }
0x69: {  	_ =	shalt  }
0x6a: {  	_ =	shalt  }
0x6b: {  	_ =	shalt  }
0x6c: {  	_ =	shalt  }
0x6d: {  	_ =	shalt  }
0x6e: {  	_ =	shalt  }
0x6f: {  	_ =	shalt  }
0x70: {  	_ =	shalt  }
0x71: {  	_ =	shalt  }
0x72: {  	_ =	shalt  }
0x73: {  	_ =	shalt  }
0x74: {  	_ =	shalt  }
0x75: {  	_ =	shalt  }
0x76: {  	_ =	shalt  }
0x77: {  	_ =	shalt  }
0x78: {  	_ =	shalt  }
0x79: {  	_ =	shalt  }
0x7a: {  	_ =	shalt  }
0x7b: {  	_ =	shalt  }
0x7c: {  	_ =	shalt  }
0x7d: {  	_ =	shalt  }
0x7e: {  	_ =	shalt  }
0x7f: {  	_ =	shalt  }
0x80: {  	_ =	shalt  }
0x81: {  	_ =	shalt  }
0x82: {  	_ =	shalt  }
0x83: {  	_ =	shalt  }
0x84: {  	_ =	shalt  }
0x85: {  	_ =	shalt  }
0x86: {  	_ =	shalt  }
0x87: {  	_ =	shalt  }
.Lfunc_end0:
.L_simem_size_0:
called_computation.2_lowered:
.L_overlay_start_0:
0x88: {  	s2 =	sld [smem:$0x3FD9]  }
0x89: {  	s3 =	sld [smem:$0x3FFE];
	_ =	sdelay $0x1  }
0x8a: {  	s1 =	srdreg.scid  }
0x8b: {  	s0 =	sand.u32 $0x1, s1  }
0x8c: {  	s17 =	sshll.u32 s0, $0xA;
	s2 =	sadd.s32 s3, s2  }
0x8d: {  	s2 =	sadd.s32 s2, s17  }
0x8e: {  	[smem:$0x3FBF] =	sst s2  }
0x8f: {  	_ = 	snop  }
0x90: {  	s18 =	sld [smem:$0x3FC8];
	(tm) =	ssettm $0x1  }
0x91: {  	s19 =	sld [smem:$0x3FFB];
	_ =	sdelay $0x3  }
0x92: {  	_ =	strace s19  }
0x93: {  	s2 =	sld [smem:$0x3FFC];
	_ =	sdelay $0x3  }
0x94: {  	_ =	strace s2  }
0x95: {  	s2 =	sld [smem:$0x3FFD];
	_ =	sdelay $0x3  }
0x96: {  	_ =	strace s2  }
0x97: {  	_ =	strace $0x8FFFFFFF  }
0x98: {  	s20 =	sld [smem:$0x3FDB];
	_ =	sdelay $0x1  }
0x99: {  	s4 =	simm.s32 $_scs_section_size  }
0x9a: {  	s5 =	simm.s32 $_size__tile_overlayer_lowered;
	s6 =	simm.s32 $_tile_overlayer_lowered  }
0x9b: {  	s7 =	simm.s32 $0x1BFF;
	s21 =	sshll.u32 s6, $0x1;
	s4 =	sadd.s32 s4, s20  }
0x9c: {  	s22 =	simm.s32 $0x0;
	s5 =	sshll.u32 s5, $0x1;
	s6 =	sadd.s32 s21, s4  }
0x9d: {  	[timem:s22], [sflag:s7] =	dma.local [hbm:s6], s5  }
0x9e: {  	_ =	swait.ge [sflag:s7], s5  }
0x9f: {  	s5 =	ssub.s32 $0x0, s5;
	[sflag:s7] =	ssyncset.done $0x0  }
0xa0: {  	[sflag:s7] =	ssyncadd.s32 s5;
	_ =	sdelay $0x1  }
0xa1: {  	s23 =	simm.s32 $0x1B8B  }
0xa2: {  	_ =	swait.ge [sflag:s23], $0x1  }
0xa3: {  	[sflag:s23] =	ssyncset.done $0x0  }
0xa4: {  	[sflag:s23] =	ssyncadd.s32 $0xFFFFFFFF  }
0xa5: {  	s5 =	sld [smem:$0x0]  }
0xa6: {  	s6 =	sand.u32 $0xFFFFFFFE, s1  }
0xa7: {  	p0 =	sne.s32 s1, s6  }
0xa8: {  	s6 =	sshll.u32 @p0 s6, $0xE  }
0xa9: {  	s6 =	sadd.s32 @p0 $0x11B8D, s6;
	s7 =	sshll.u32 @p0 s5, $0x11  }
0xaa: {  	s6 =	sor.u32 @p0 s7, s6  }
0xab: {  	[sflag:s6] =	ssyncadd.remote.s32 @p0 $0x1;
	_ =	sdelay $0x1  }
0xac: {  	s6 =	simm.s32 @p0 $0x1B8D  }
0xad: {  	_ =	swait.eq @p0 [sflag:s6], $0x1  }
0xae: {  	[sflag:s6] =	ssyncadd.s32 @p0 $0xFFFFFFFF  }
0xaf: {  	s7 =	sshll.u32 @!p0 s1, $0xE  }
0xb0: {  	s7 =	sor.u32 @!p0 $0x4000, s7;
	s6 =	simm.s32 @!p0 $0x1B8D  }
0xb1: {  	s5 =	sshll.u32 @!p0 s5, $0x11;
	s7 =	sadd.s32 @!p0 $0x11B8D, s7;
	_ =	swait.eq @!p0 [sflag:s6], $0x1  }
0xb2: {  	s5 =	sor.u32 @!p0 s5, s7;
	[sflag:s6] =	ssyncadd.s32 @!p0 $0xFFFFFFFF  }
0xb3: {  	s25 =	simm.s32 $0x1B8E;
	s24 =	sld [smem:$0x3FFE];
	[sflag:s5] =	ssyncadd.remote.s32 @!p0 $0x1  }
0xb4: {  	s26 =	simm.s32 $execute0_lowered;
	[smem:$0x3FD2] =	sst s25  }
0xb5: {  	s6 =	sshll.u32 s26, $0x1;
	_ =	strace $0x8000004C;
	[dreg:$0x1] =	wrdreg $0xFFFFFFFF  }
0xb6: {  	s28 =	simm.s32 $_size_execute0_lowered;
	s4 =	sadd.s32 s4, s6;
	[dreg:$0x0] =	wrdreg $0x0  }
0xb7: {  	s6 =	sshll.u32 s28, $0x1;
	[dreg:$0x2] =	wrdreg s4  }
0xb8: {  	[dreg:$0x3] =	wrdreg s6  }
0xb9: {  	[dreg:$0x4] =	wrdreg $0xC0  }
0xba: {  	_ =	task [dreg:s22], $0x5FFFF  }
0xbb: {  	[dreg:$0x1] =	wrdreg $0xFFFFFFFF  }
0xbc: {  	[dreg:$0x0] =	wrdreg $0x60  }
0xbd: {  	[dreg:$0x2] =	wrdreg s18  }
0xbe: {  	[dreg:$0x3] =	wrdreg s24  }
0xbf: {  	[dreg:$0x4] =	wrdreg $0xB  }
0xc0: {  	_ =	task.clear_ibuf [dreg:s22], $0x5FFFF;
	_ =	strace $0x9000004C  }
0xc1: {  	s29 =	simm.s32 $0xB;
	_ =	strace $0x8000004E  }
0xc2: {  	_ =	swait.ge [sflag:s29], $0x1  }
0xc3: {  	[sflag:s29] =	ssyncadd.s32 $0xFFFFFFFF  }
0xc4: {  	_ =	strace $0x9000004E  }
0xc5: {  	_ =	sfence  }
0xc6: {  	s30 =	sld [smem:$0x0];
	_ =	sdelay $0x2  }
0xc7: {  	s31 =	sshll.u32 s1, $0xD;
	s1 =	sshrl.u32 s1, $0x2  }
0xc8: {  	s4 =	sand.u32 $0x4000, s31;
	s1 =	sadd.s32 s1, s30  }
0xc9: {  	s0 =	sor.u32 s4, s0;
	s1 =	sshll.u32 s1, $0x11  }
0xca: {  	s0 =	sor.u32 s1, s0  }
0xcb: {  	s0 =	sadd.s32 $0x8F2B, s0  }
0xcc: {  	[sflag:s0] =	ssyncadd.remote.s32 $0x1  }
0xcd: {  	_ =	sfence.sel $0xFFFF  }
0xce: {  	[dreg:$0x0] =	wrdreg $0xFFFFFFFF;
	(pc) =	sbr.abs _section_cstart, $3  }
0xcf: {  	[dreg:$0x1] =	wrdreg $0xFFFFFFFF  }
0xd0: {  	_ =	task.clear_ibuf [dreg:s22], $0x2FFFF;
	_ =	strace $0x9FFFFFFF  }
0xd1: {  	(tm) =	ssettm $0x7FFFFFFF  }
tec
execute0_lowered:
.L_overlay_start_1:
0x0: {  	(tag) =	ssettag $0x1  }
0x1: {  	s2 =	rddreg [dreg:$0x0]  }
0x2: {  	s1 =	srdreg.scid;
	s0 =	stileid.u32  }
0x3: {  	s5 =	rddreg [dreg:$0x1];
	s3 =	simm.s32 $0x0;
	s13 =	simm.s32 $0xFA0  }
0x4: {  	s14 =	simm.s32 $0x37A0;
	s15 =	simm.s32 $0x1;
	s16 =	simm.s32 $0x2  }
0x5: {  	s17 =	simm.s32 $0x0;
	s6 =	sand.u32 $0x1, s1;
	s8 =	smul.u32 $0xFA00, s0  }
0x6: {  	s4 =	sshll.u32 s0, $0x1;
	s1 =	rddreg [dreg:$0x2];
	s9 =	smul.u32 $0x1F40, s0  }
0x7: {  	[smem:$0x7FF] =	sst s3;
	s4 =	sor.u32 s6, s4;
	s12 =	smul.u32 $0xFA0, s6  }
0x8: {  	_ =	strace $0x8000004D;
	s10 =	ssub.s32 $0x2, s6;
	s30 =	smul.u32 $0x7D00, s6  }
0x9: {  	s7 =	smul.u32 $0x7D0, s4;
	s4 =	sadd.s32 $0x4E7200, s5;
	s29 =	sshrl.u32 s10, $0x1  }
0xa: {  	s11 =	sadd.s32 s8, s5;
	s9 =	sadd.s32 s9, s5;
	s8 =	ssub.s32 s10, s29  }
0xb: {  	s9 =	sadd.s32 s12, s9;
	s31 =	sadd.s32 s30, s11;
	s7 =	sshrl.u32 s7, $0x3  }
0xc: {  	s11 =	simm.s32 $0x7D0;
	s12 =	simm.s32 $0x50;
	s7 =	sadd.s32 s7, s5  }
0xd: {  	s10 =	simm.s32 $0x3;
	s5 =	sadd.s32 $0x241A00, s7;
	s6 =	sadd.s32 $0x23FA00, s7  }
0xe: {  	s7 =	smax.u32 s8, $0x1;
	s8 =	sadd.s32 $0x243A00, s9;
	s9 =	sadd.s32 $0x262E00, s31  }
.LBB2_1:
0xf: {  	[tilespmem:s3], [sflag:$0x3] =	stream.linear.gather [hbm4b:s5+s3], $0x7D0, $0x38;
	[tilespmem:$0x3CA0] =	vst v63  }
0x10: {  	_ =	swait.ge [sflag:s10], $0x7D0  }
0x11: {  	[sflag:s10] =	ssyncset.done $0x0  }
0x12: {  	[sflag:s10] =	ssyncadd.s32 $0xFFFFF830  }
0x13: {  	[tilespmem:s11], [sflag:$0x3] =	stream.linear.gather [hbm4b:s6+s3], $0x7D0, $0x38;
	[tilespmem:$0x3CA0] =	vst v63  }
0x14: {  	_ =	swait.ge [sflag:s10], $0x7D0  }
0x15: {  	[sflag:s10] =	ssyncset.done $0x0  }
0x16: {  	s18 =	simm.s32 $0x0;
	[sflag:s10] =	ssyncadd.s32 $0xFFFFF830  }
0x17: {  	[tilespmem:s13], [sflag:$0x1] =	stream.indirect.gather [hbm4b:s2+s12], $0x80, s18, s12, $0xb8;
	[tilespmem:$0x3CA0] =	vst v63  }
0x18: {  	s31 =	simm.s32 $0x7D0  }
0x19: {  	[tilespmem:s14], [sflag:$0x2] =	stream.indirect.gather [hbm4b:s4+s12], $0x10, s31, s12, $0xb8;
	[tilespmem:$0x3CA0] =	vst v63  }
0x1a: {  	_ =	swait.ge [sflag:s15], $0x2800  }
0x1b: {  	[sflag:s15] =	ssyncset.done $0x0  }
0x1c: {  	[sflag:s15] =	ssyncadd.s32 $0xFFFFD800  }
0x1d: {  	_ =	swait.ge [sflag:s16], $0x500  }
0x1e: {  	[sflag:s16] =	ssyncset.done $0x0  }
0x1f: {  	[sflag:s16] =	ssyncadd.s32 $0xFFFFFB00  }
0x20: {  	[hbm4b:s9+s3] =	stream.linear.scatter [tilespmem:s13], [sflag:$0x3], $0x2800, $0x38;
	[tilespmem:$0x3CA0] =	vst v63  }
0x21: {  	_ =	swait.ge [sflag:s10], $0x2800  }
0x22: {  	[sflag:s10] =	ssyncset.done $0x0  }
0x23: {  	[sflag:s10] =	ssyncadd.s32 $0xFFFFD800  }
0x24: {  	[hbm4b:s8+s3] =	stream.linear.scatter [tilespmem:s14], [sflag:$0x3], $0x500, $0x38;
	[tilespmem:$0x3CA0] =	vst v63  }
0x25: {  	s20 =	simm.s32 $0x140;
	s21 =	simm.s32 $0x280;
	_ =	swait.ge [sflag:s10], $0x500  }
0x26: {  	s19 =	sadd.s32 $0x500, s9;
	s18 =	sadd.s32 $0xA0, s8;
	[sflag:s10] =	ssyncset.done $0x0  }
.LBB2_2:
0x27: {  	s22 =	sshra.s32 s20, $0x2  }
0x28: {  	[sflag:s10] =	ssyncadd.s32 $0xFFFFFB00;
	s20 =	smov.u32 s21;
	s23 =	sadd.s32 $0x140, s21  }
0x29: {  	[tilespmem:s13], [sflag:$0x1] =	stream.indirect.gather [hbm4b:s2+s12], $0x80, s22, s12, $0xb8;
	[tilespmem:$0x3CA0] =	vst v63  }
0x2a: {  	p0 =	sne.s32 s21, $0x1E00;
	s21 =	sadd.s32 $0x7D0, s22  }
0x2b: {  	[tilespmem:s14], [sflag:$0x2] =	stream.indirect.gather [hbm4b:s4+s12], $0x10, s21, s12, $0xb8;
	[tilespmem:$0x3CA0] =	vst v63  }
0x2c: {  	_ =	swait.ge [sflag:s15], $0x2800  }
0x2d: {  	[sflag:s15] =	ssyncset.done $0x0  }
0x2e: {  	[sflag:s15] =	ssyncadd.s32 $0xFFFFD800  }
0x2f: {  	_ =	swait.ge [sflag:s16], $0x500  }
0x30: {  	[sflag:s16] =	ssyncset.done $0x0  }
0x31: {  	[sflag:s16] =	ssyncadd.s32 $0xFFFFFB00  }
0x32: {  	[hbm4b:s19+s3] =	stream.linear.scatter [tilespmem:s13], [sflag:$0x3], $0x2800, $0x38;
	[tilespmem:$0x3CA0] =	vst v63  }
0x33: {  	_ =	swait.ge [sflag:s10], $0x2800  }
.Ltmp0:
0x34: {  	[sflag:s10] =	ssyncset.done $0x0;
	(pc) =	sbr.rel @p0 .LBB2_2-.Ltmp0, $4  }
0x35: {  	[sflag:s10] =	ssyncadd.s32 $0xFFFFD800  }
0x36: {  	[hbm4b:s18+s3] =	stream.linear.scatter [tilespmem:s14], [sflag:$0x3], $0x500, $0x38;
	[tilespmem:$0x3CA0] =	vst v63  }
0x37: {  	s21 =	smov.u32 s23;
	_ =	swait.ge [sflag:s10], $0x500  }
0x38: {  	s19 =	sadd.s32 $0x500, s19;
	s18 =	sadd.s32 $0xA0, s18;
	[sflag:s10] =	ssyncset.done $0x0  }
0x39: {  	s20 =	sshra.s32 s20, $0x2;
	[sflag:s10] =	ssyncadd.s32 $0xFFFFFB00  }
0x3a: {  	[tilespmem:s13], [sflag:$0x1] =	stream.indirect.gather [hbm4b:s2+s12], $0x80, s20, s12, $0xb8;
	[tilespmem:$0x3CA0] =	vst v63  }
0x3b: {  	s20 =	sadd.s32 $0x7D0, s20  }
0x3c: {  	[tilespmem:s14], [sflag:$0x2] =	stream.indirect.gather [hbm4b:s4+s12], $0x10, s20, s12, $0xb8;
	[tilespmem:$0x3CA0] =	vst v63  }
0x3d: {  	_ =	swait.ge [sflag:s15], $0x2800  }
0x3e: {  	[sflag:s15] =	ssyncset.done $0x0  }
0x3f: {  	[sflag:s15] =	ssyncadd.s32 $0xFFFFD800  }
0x40: {  	_ =	swait.ge [sflag:s16], $0x500  }
0x41: {  	[sflag:s16] =	ssyncset.done $0x0  }
0x42: {  	[sflag:s16] =	ssyncadd.s32 $0xFFFFFB00  }
0x43: {  	[hbm4b:s19+s3] =	stream.linear.scatter [tilespmem:s13], [sflag:$0x3], $0x2800, $0x38;
	[tilespmem:$0x3CA0] =	vst v63  }
0x44: {  	s17 =	sadd.s32 $0x1, s17;
	_ =	swait.ge [sflag:s10], $0x2800  }
0x45: {  	p0 =	sne.s32 s17, s7;
	[sflag:s10] =	ssyncset.done $0x0  }
.Ltmp1:
0x46: {  	[sflag:s10] =	ssyncadd.s32 $0xFFFFD800;
	(pc) =	sbr.rel @p0 .LBB2_1-.Ltmp1, $4  }
0x47: {  	[hbm4b:s18+s3] =	stream.linear.scatter [tilespmem:s14], [sflag:$0x3], $0x500, $0x38;
	[tilespmem:$0x3CA0] =	vst v63  }
0x48: {  	_ =	swait.ge [sflag:s10], $0x500  }
0x49: {  	[sflag:s10] =	ssyncset.done $0x0  }
0x4a: {  	[sflag:s10] =	ssyncadd.s32 $0xFFFFFB00  }
0x4b: {  	_ =	sfence.sel $0x180000  }
0x4c: {  	[bflag:$0x0] =	sbarrier.arrive $0xFFFF  }
0x4d: {  	p0 =	sne.s32 s0, $0x0;
	_ =	strace $0x9000004D  }
0x4e: {  	s0 =	sadd.s32 @!p0 $0x100000, s1;
	[bflag:$0x2] =	sbarrier.arrive $0xFFFF  }
0x4f: {  	[sflag:s0] =	ssyncadd.tile.s32 @!p0 $0x1;
	_ =	shalt  }
.Lfunc_end2:
_tile_overlayer_lowered:
.L_overlay_start_2:
0x50: {  	(tag) =	ssettag $0x2  }
0x51: {  	s0 =	rddreg [dreg:$0x0];
	s2 =	stileid.u32  }
0x52: {  	s1 =	rddreg [dreg:$0x1];
	p0 =	sne.s32 s2, $0x0  }
0x53: {  	s3 =	rddreg [dreg:$0x2];
	[bflag:$0x3] =	sbarrier.arrive $0xFFFF;
	s2 =	simm.s32 @!p0 $0x1C03  }
0x54: {  	[timem:s3], [sflag:s2] =	dma.local @!p0 [hbm:s0], s1  }
0x55: {  	s0 =	simm.s32 @!p0 $0x3  }
0x56: {  	_ =	swait.ge @!p0 [sflag:s0], s1  }
0x57: {  	s1 =	ssub.s32 @!p0 $0x0, s1;
	[sflag:s0] =	ssyncset.done @!p0 $0x0  }
0x58: {  	[sflag:s0] =	ssyncadd.s32 @!p0 s1  }
0x59: {  	[bflag:$0x3] =	sbarrier.arrive $0xFFFF  }
0x5a: {  	_ =	shalt  }

// kernel: kernel.21.cloned.1.call-start
scs
__scs_entry_jumppad:
0x0: {  	(pc) =	sbr.rel $0x88, $3  }
0x1: {  	(tag) =	ssettag $0x0;
	lr =	simm.s32 $0x1  }
0x2: {  	[smem:$0x3F98] =	sst lr;
	_ =	strace $0xD0000000  }
0x3: {  	_ = 	snop  }
0x4: {  	_ = 	snop  }
0x5: {  	_ = 	snop  }
0x6: {  	_ = 	snop  }
0x7: {  	_ = 	snop  }
__scs_overlays_trampoline_lowered:
0x8: {  	[smem:$0x3FA7] =	sst s0  }
0x9: {  	[smem:$0x3FA8] =	sst s1  }
0xa: {  	[smem:$0x3FA9] =	sst s2  }
0xb: {  	[smem:$0x3FAA] =	sst s3  }
0xc: {  	[smem:$0x3FAB] =	sst s4  }
0xd: {  	[smem:$0x3FAC] =	sst s5  }
0xe: {  	[smem:$0x3FAD] =	sst s6  }
0xf: {  	[smem:$0x3FAE] =	sst s7  }
0x10: {  	[smem:$0x3FAF] =	sst s8  }
0x11: {  	[smem:$0x3FB0] =	sst s9;
	s0 =	simm.s32 @!p0 $0x0  }
0x12: {  	s1 =	sld [smem:$0x3F96];
	s0 =	simm.s32 @p0 $0x1  }
0x13: {  	[smem:$0x3FB1] =	sst s0;
	s0 =	simm.s32 @!p1 $0x0  }
0x14: {  	s2 =	sld [smem:$0x3F95];
	s0 =	simm.s32 @p1 $0x1  }
0x15: {  	[smem:$0x3FB2] =	sst s0;
	s0 =	simm.s32 @!p2 $0x0  }
0x16: {  	s3 =	sld [smem:$0x3FDB];
	s0 =	simm.s32 @p2 $0x1  }
0x17: {  	s4 =	simm.s32 $0x1BF5;
	[smem:$0x3FB4] =	sst s0  }
0x18: {  	s0 =	sld [smem:$0x3F97];
	_ =	swait.ge [sflag:s4], $0x0  }
0x19: {  	s7 =	sld [smem:$0x3F98]  }
0x1a: {  	s8 =	sadd.s32 $0xFFFFE003, lr  }
0x1b: {  	s9 =	sadd.s32 $0xFFFFFEF7, lr;
	s5 =	simm.s32 $0xFFFFFFFF;
	p2 =	slt.u32 s8, $0xFFFFF086  }
0x1c: {  	p1 =	slt.u32 s9, $0xF7A;
	s5 =	simm.s32 @!p2 $0x0  }
0x1d: {  	s5 =	simm.s32 @p1 $0x1;
	p0 =	seq.s32 s7, s2  }
0x1e: {  	s7 =	smul.u32 @!p0 $0xF7A, s2;
	p2 =	seq.s32 @!p0 s5, $0x0  }
0x1f: {  	s9 =	smul.u32 $0xF7A, s1;
	s8 =	simm.s32 @!p0 $0x1BF5;
	p2 =	por !p2, p0  }
0x20: {  	[sflag:s8] =	ssyncset.s32 @!p0 $0xFFFFF086;
	s6 =	sadd.s32 @!p0 s3, s7;
	s7 =	simm.s32 @!p0 $0x108  }
0x21: {  	s3 =	sadd.s32 s3, s9;
	s6 =	sadd.s32 @!p0 $0x88, s6;
	s7 =	simm.s32 @p2 $0x1082  }
0x22: {  	[simem:s7], [sflag:s8] =	dma.local @!p0 [hbm:s6], $0xF7A  }
0x23: {  	s9 =	sor.u32 $0xD0000000, s2;
	s6 =	simm.s32 $0x108;
	_ =	swait.ge @!p0 [sflag:s8], $0x0  }
0x24: {  	s3 =	sadd.s32 $0x88, s3;
	s6 =	simm.s32 @!p1 $0x1082;
	[sflag:s4] =	ssyncset.s32 $0xFFFFF086  }
0x25: {  	[simem:s6], [sflag:s4] =	dma.local [hbm:s3], $0xF7A  }
0x26: {  	[smem:$0x3F98] =	sst s1;
	(tag) =	ssettag s2;
	_ =	strace s9  }
0x27: {  	s1 =	sld [smem:$0x3FA8]  }
0x28: {  	s2 =	sld [smem:$0x3FA9]  }
0x29: {  	s4 =	sld [smem:$0x3FAB]  }
0x2a: {  	p0 =	seq.s32 s5, $0x0;
	s5 =	sld [smem:$0x3FAC]  }
0x2b: {  	s6 =	sld [smem:$0x3FAD]  }
0x2c: {  	s7 =	sld [smem:$0x3FAE]  }
0x2d: {  	s3 =	simm.s32 $0x108;
	s8 =	sld [smem:$0x3FAF]  }
0x2e: {  	s3 =	simm.s32 @!p0 $0x1082;
	s9 =	sld [smem:$0x3FB0]  }
0x2f: {  	lr =	sadd.s32 s0, s3;
	s0 =	sld [smem:$0x3FA7]  }
0x30: {  	s3 =	sld [smem:$0x3FAA]  }
0x31: {  	[smem:$0x3FB3] =	sst s10  }
0x32: {  	s10 =	sld [smem:$0x3FB1];
	_ =	sdelay $0x3  }
0x33: {  	p0 =	seq.s32 s10, $0x1;
	s10 =	sld [smem:$0x3FB3];
	_ =	sdelay $0x3  }
0x34: {  	[smem:$0x3FB3] =	sst s10  }
0x35: {  	s10 =	sld [smem:$0x3FB2];
	_ =	sdelay $0x3  }
0x36: {  	p1 =	seq.s32 s10, $0x1;
	s10 =	sld [smem:$0x3FB3];
	_ =	sdelay $0x3  }
0x37: {  	[smem:$0x3FB3] =	sst s10  }
0x38: {  	s10 =	sld [smem:$0x3FB4]  }
0x39: {  	_ = 	snop;
	(pc) =	sbr.ind lr, $3  }
0x3a: {  	_ = 	snop  }
0x3b: {  	_ = 	snop  }
0x3c: {  	p2 =	seq.s32 s10, $0x1;
	s10 =	sld [smem:$0x3FB3]  }
0x3d: {  	_ =	shalt  }
0x3e: {  	_ =	shalt  }
0x3f: {  	_ =	shalt  }
0x40: {  	_ =	shalt  }
0x41: {  	_ =	shalt  }
0x42: {  	_ =	shalt  }
0x43: {  	_ =	shalt  }
0x44: {  	_ =	shalt  }
0x45: {  	_ =	shalt  }
0x46: {  	_ =	shalt  }
0x47: {  	_ =	shalt  }
0x48: {  	_ =	shalt  }
0x49: {  	_ =	shalt  }
0x4a: {  	_ =	shalt  }
0x4b: {  	_ =	shalt  }
0x4c: {  	_ =	shalt  }
0x4d: {  	_ =	shalt  }
0x4e: {  	_ =	shalt  }
0x4f: {  	_ =	shalt  }
0x50: {  	_ =	shalt  }
0x51: {  	_ =	shalt  }
0x52: {  	_ =	shalt  }
0x53: {  	_ =	shalt  }
0x54: {  	_ =	shalt  }
0x55: {  	_ =	shalt  }
0x56: {  	_ =	shalt  }
0x57: {  	_ =	shalt  }
0x58: {  	_ =	shalt  }
0x59: {  	_ =	shalt  }
0x5a: {  	_ =	shalt  }
0x5b: {  	_ =	shalt  }
0x5c: {  	_ =	shalt  }
0x5d: {  	_ =	shalt  }
0x5e: {  	_ =	shalt  }
0x5f: {  	_ =	shalt  }
0x60: {  	_ =	shalt  }
0x61: {  	_ =	shalt  }
0x62: {  	_ =	shalt  }
0x63: {  	_ =	shalt  }
0x64: {  	_ =	shalt  }
0x65: {  	_ =	shalt  }
0x66: {  	_ =	shalt  }
0x67: {  	_ =	shalt  }
0x68: {  	_ =	shalt  }
0x69: {  	_ =	shalt  }
0x6a: {  	_ =	shalt  }
0x6b: {  	_ =	shalt  }
0x6c: {  	_ =	shalt  }
0x6d: {  	_ =	shalt  }
0x6e: {  	_ =	shalt  }
0x6f: {  	_ =	shalt  }
0x70: {  	_ =	shalt  }
0x71: {  	_ =	shalt  }
0x72: {  	_ =	shalt  }
0x73: {  	_ =	shalt  }
0x74: {  	_ =	shalt  }
0x75: {  	_ =	shalt  }
0x76: {  	_ =	shalt  }
0x77: {  	_ =	shalt  }
0x78: {  	_ =	shalt  }
0x79: {  	_ =	shalt  }
0x7a: {  	_ =	shalt  }
0x7b: {  	_ =	shalt  }
0x7c: {  	_ =	shalt  }
0x7d: {  	_ =	shalt  }
0x7e: {  	_ =	shalt  }
0x7f: {  	_ =	shalt  }
0x80: {  	_ =	shalt  }
0x81: {  	_ =	shalt  }
0x82: {  	_ =	shalt  }
0x83: {  	_ =	shalt  }
0x84: {  	_ =	shalt  }
0x85: {  	_ =	shalt  }
0x86: {  	_ =	shalt  }
0x87: {  	_ =	shalt  }
.Lfunc_end0:
.L_simem_size_0:
called_computation.3_lowered:
.L_overlay_start_0:
0x88: {  	s2 =	sld [smem:$0x3FD9]  }
0x89: {  	s3 =	sld [smem:$0x3FFE];
	_ =	sdelay $0x1  }
0x8a: {  	s1 =	srdreg.scid  }
0x8b: {  	s0 =	sand.u32 $0x1, s1  }
0x8c: {  	s17 =	sshll.u32 s0, $0xA;
	s2 =	sadd.s32 s3, s2  }
0x8d: {  	s2 =	sadd.s32 s2, s17  }
0x8e: {  	[smem:$0x3FBF] =	sst s2  }
0x8f: {  	_ = 	snop  }
0x90: {  	s4 =	sld [smem:$0x3FC8]  }
0x91: {  	s18 =	sld [smem:$0x3FD0];
	(tm) =	ssettm $0x1  }
0x92: {  	s19 =	sld [smem:$0x3FFB];
	_ =	sdelay $0x3  }
0x93: {  	_ =	strace s19  }
0x94: {  	s2 =	sld [smem:$0x3FFC];
	_ =	sdelay $0x3  }
0x95: {  	_ =	strace s2  }
0x96: {  	s2 =	sld [smem:$0x3FFD];
	_ =	sdelay $0x3  }
0x97: {  	_ =	strace s2  }
0x98: {  	_ =	strace $0x8FFFFFFF  }
0x99: {  	s20 =	sld [smem:$0x3FDB];
	_ =	sdelay $0x1  }
0x9a: {  	s5 =	simm.s32 $_scs_section_size  }
0x9b: {  	s6 =	simm.s32 $_size__tile_overlayer_lowered;
	s7 =	simm.s32 $_tile_overlayer_lowered  }
0x9c: {  	s8 =	simm.s32 $0x1BFF;
	s21 =	sshll.u32 s7, $0x1;
	s5 =	sadd.s32 s5, s20  }
0x9d: {  	s22 =	simm.s32 $0x0;
	s6 =	sshll.u32 s6, $0x1;
	s7 =	sadd.s32 s21, s5  }
0x9e: {  	[timem:s22], [sflag:s8] =	dma.local [hbm:s7], s6  }
0x9f: {  	_ =	swait.ge [sflag:s8], s6  }
0xa0: {  	s6 =	ssub.s32 $0x0, s6;
	[sflag:s8] =	ssyncset.done $0x0  }
0xa1: {  	[sflag:s8] =	ssyncadd.s32 s6;
	_ =	sdelay $0x1  }
0xa2: {  	s23 =	simm.s32 $0x1B8B  }
0xa3: {  	_ =	swait.ge [sflag:s23], $0x1  }
0xa4: {  	[sflag:s23] =	ssyncset.done $0x0  }
0xa5: {  	[sflag:s23] =	ssyncadd.s32 $0xFFFFFFFF  }
0xa6: {  	s6 =	sld [smem:$0x0]  }
0xa7: {  	s7 =	sand.u32 $0xFFFFFFFE, s1  }
0xa8: {  	p0 =	sne.s32 s1, s7  }
0xa9: {  	s7 =	sshll.u32 @p0 s7, $0xE  }
0xaa: {  	s7 =	sadd.s32 @p0 $0x11B8D, s7;
	s8 =	sshll.u32 @p0 s6, $0x11  }
0xab: {  	s7 =	sor.u32 @p0 s8, s7  }
0xac: {  	[sflag:s7] =	ssyncadd.remote.s32 @p0 $0x1;
	_ =	sdelay $0x1  }
0xad: {  	s7 =	simm.s32 @p0 $0x1B8D  }
0xae: {  	_ =	swait.eq @p0 [sflag:s7], $0x1  }
0xaf: {  	[sflag:s7] =	ssyncadd.s32 @p0 $0xFFFFFFFF  }
0xb0: {  	s8 =	sshll.u32 @!p0 s1, $0xE  }
0xb1: {  	s8 =	sor.u32 @!p0 $0x4000, s8;
	s7 =	simm.s32 @!p0 $0x1B8D  }
0xb2: {  	s6 =	sshll.u32 @!p0 s6, $0x11;
	s8 =	sadd.s32 @!p0 $0x11B8D, s8;
	_ =	swait.eq @!p0 [sflag:s7], $0x1  }
0xb3: {  	s6 =	sor.u32 @!p0 s6, s8;
	[sflag:s7] =	ssyncadd.s32 @!p0 $0xFFFFFFFF  }
0xb4: {  	s25 =	simm.s32 $0x1B8E;
	s24 =	sld [smem:$0x3FFE];
	[sflag:s6] =	ssyncadd.remote.s32 @!p0 $0x1  }
0xb5: {  	s26 =	simm.s32 $execute0_lowered;
	[smem:$0x3FD2] =	sst s25  }
0xb6: {  	s7 =	sshll.u32 s26, $0x1;
	_ =	strace $0x8000004F;
	[dreg:$0x1] =	wrdreg $0xFFFFFFFF  }
0xb7: {  	s28 =	simm.s32 $_size_execute0_lowered;
	s5 =	sadd.s32 s5, s7;
	[dreg:$0x0] =	wrdreg $0x0  }
0xb8: {  	s7 =	sshll.u32 s28, $0x1;
	[dreg:$0x2] =	wrdreg s5  }
0xb9: {  	[dreg:$0x3] =	wrdreg s7  }
0xba: {  	[dreg:$0x4] =	wrdreg $0xC0  }
0xbb: {  	_ =	task [dreg:s22], $0x5FFFF  }
0xbc: {  	[dreg:$0x1] =	wrdreg $0xFFFFFFFF  }
0xbd: {  	[dreg:$0x0] =	wrdreg $0x60  }
0xbe: {  	[dreg:$0x2] =	wrdreg s4  }
0xbf: {  	[dreg:$0x3] =	wrdreg s24  }
0xc0: {  	[dreg:$0x4] =	wrdreg s18  }
0xc1: {  	[dreg:$0x5] =	wrdreg $0xC  }
0xc2: {  	_ =	task.clear_ibuf [dreg:s22], $0x6FFFF;
	_ =	strace $0x9000004F  }
0xc3: {  	s29 =	simm.s32 $0xC;
	_ =	strace $0x80000051  }
0xc4: {  	_ =	swait.ge [sflag:s29], $0x1  }
0xc5: {  	[sflag:s29] =	ssyncadd.s32 $0xFFFFFFFF  }
0xc6: {  	_ =	strace $0x90000051  }
0xc7: {  	_ =	sfence  }
0xc8: {  	s30 =	sld [smem:$0x0];
	_ =	sdelay $0x2  }
0xc9: {  	s31 =	sshll.u32 s1, $0xD;
	s1 =	sshrl.u32 s1, $0x2  }
0xca: {  	s4 =	sand.u32 $0x4000, s31;
	s1 =	sadd.s32 s1, s30  }
0xcb: {  	s0 =	sor.u32 s4, s0;
	s1 =	sshll.u32 s1, $0x11  }
0xcc: {  	s0 =	sor.u32 s1, s0  }
0xcd: {  	s0 =	sadd.s32 $0x8F2B, s0  }
0xce: {  	[sflag:s0] =	ssyncadd.remote.s32 $0x1  }
0xcf: {  	_ =	sfence.sel $0xFFFF  }
0xd0: {  	[dreg:$0x0] =	wrdreg $0xFFFFFFFF;
	(pc) =	sbr.abs _section_cstart, $3  }
0xd1: {  	[dreg:$0x1] =	wrdreg $0xFFFFFFFF  }
0xd2: {  	_ =	task.clear_ibuf [dreg:s22], $0x2FFFF;
	_ =	strace $0x9FFFFFFF  }
0xd3: {  	(tm) =	ssettm $0x7FFFFFFF  }
tec
execute0_lowered:
.L_overlay_start_1:
0x0: {  	(tag) =	ssettag $0x1  }
0x1: {  	s1 =	rddreg [dreg:$0x0]  }
0x2: {  	s5 =	rddreg [dreg:$0x1]  }
0x3: {  	s7 =	rddreg [dreg:$0x2]  }
0x4: {  	s0 =	rddreg [dreg:$0x3]  }
0x5: {  	s4 =	srdreg.scid;
	s2 =	stileid.u32  }
0x6: {  	s3 =	simm.s32 $0x0;
	s14 =	simm.s32 $0x37A0;
	s15 =	simm.s32 $0x1  }
0x7: {  	s16 =	simm.s32 $0x2;
	s17 =	simm.s32 $0x0;
	s9 =	smul.u32 $0xFA00, s2  }
0x8: {  	s6 =	sand.u32 $0x1, s4;
	s29 =	sshll.u32 s2, $0x1;
	s11 =	smul.u32 $0x1F40, s2  }
0x9: {  	[smem:$0x7FF] =	sst s3;
	s4 =	sor.u32 s6, s29;
	s13 =	smul.u32 $0xFA0, s6  }
0xa: {  	_ =	strace $0x80000050;
	s10 =	ssub.s32 $0x2, s6;
	s30 =	smul.u32 $0x7D00, s6  }
0xb: {  	s8 =	smul.u32 $0x7D0, s4;
	s4 =	sadd.s32 $0x4E7200, s5;
	s12 =	sshrl.u32 s10, $0x1  }
0xc: {  	s9 =	sadd.s32 s9, s5;
	s31 =	sadd.s32 s11, s7;
	s11 =	simm.s32 $0x7D0  }
0xd: {  	s10 =	ssub.s32 s10, s12;
	s9 =	sadd.s32 s30, s9;
	s8 =	sshrl.u32 s8, $0x3  }
0xe: {  	s12 =	simm.s32 $0x50;
	s7 =	smax.u32 s10, $0x1;
	s8 =	sadd.s32 s8, s5  }
0xf: {  	s9 =	sadd.s32 $0x360E00, s9;
	s10 =	simm.s32 $0x3;
	s5 =	sadd.s32 $0x35EE00, s8  }
0x10: {  	s6 =	sadd.s32 $0x35CE00, s8;
	s8 =	sadd.s32 s13, s31;
	s13 =	simm.s32 $0xFA0  }
.LBB2_1:
0x11: {  	[tilespmem:s3], [sflag:$0x3] =	stream.linear.gather [hbm4b:s5+s3], $0x7D0, $0x38;
	[tilespmem:$0x3CA0] =	vst v63  }
0x12: {  	_ =	swait.ge [sflag:s10], $0x7D0  }
0x13: {  	[sflag:s10] =	ssyncset.done $0x0  }
0x14: {  	[sflag:s10] =	ssyncadd.s32 $0xFFFFF830  }
0x15: {  	[tilespmem:s11], [sflag:$0x3] =	stream.linear.gather [hbm4b:s6+s3], $0x7D0, $0x38;
	[tilespmem:$0x3CA0] =	vst v63  }
0x16: {  	_ =	swait.ge [sflag:s10], $0x7D0  }
0x17: {  	[sflag:s10] =	ssyncset.done $0x0  }
0x18: {  	s18 =	simm.s32 $0x0;
	[sflag:s10] =	ssyncadd.s32 $0xFFFFF830  }
0x19: {  	[tilespmem:s13], [sflag:$0x1] =	stream.indirect.gather [hbm4b:s1+s12], $0x80, s18, s12, $0xb8;
	[tilespmem:$0x3CA0] =	vst v63  }
0x1a: {  	s31 =	simm.s32 $0x7D0  }
0x1b: {  	[tilespmem:s14], [sflag:$0x2] =	stream.indirect.gather [hbm4b:s4+s12], $0x10, s31, s12, $0xb8;
	[tilespmem:$0x3CA0] =	vst v63  }
0x1c: {  	_ =	swait.ge [sflag:s15], $0x2800  }
0x1d: {  	[sflag:s15] =	ssyncset.done $0x0  }
0x1e: {  	[sflag:s15] =	ssyncadd.s32 $0xFFFFD800  }
0x1f: {  	_ =	swait.ge [sflag:s16], $0x500  }
0x20: {  	[sflag:s16] =	ssyncset.done $0x0  }
0x21: {  	[sflag:s16] =	ssyncadd.s32 $0xFFFFFB00  }
0x22: {  	[hbm4b:s9+s3] =	stream.linear.scatter [tilespmem:s13], [sflag:$0x3], $0x2800, $0x38;
	[tilespmem:$0x3CA0] =	vst v63  }
0x23: {  	_ =	swait.ge [sflag:s10], $0x2800  }
0x24: {  	[sflag:s10] =	ssyncset.done $0x0  }
0x25: {  	[sflag:s10] =	ssyncadd.s32 $0xFFFFD800  }
0x26: {  	[hbm4b:s8+s3] =	stream.linear.scatter [tilespmem:s14], [sflag:$0x3], $0x500, $0x38;
	[tilespmem:$0x3CA0] =	vst v63  }
0x27: {  	s20 =	simm.s32 $0x140;
	s21 =	simm.s32 $0x280;
	_ =	swait.ge [sflag:s10], $0x500  }
0x28: {  	s19 =	sadd.s32 $0x500, s9;
	s18 =	sadd.s32 $0xA0, s8;
	[sflag:s10] =	ssyncset.done $0x0  }
.LBB2_2:
0x29: {  	s22 =	sshra.s32 s20, $0x2  }
0x2a: {  	[sflag:s10] =	ssyncadd.s32 $0xFFFFFB00;
	s20 =	smov.u32 s21;
	s23 =	sadd.s32 $0x140, s21  }
0x2b: {  	[tilespmem:s13], [sflag:$0x1] =	stream.indirect.gather [hbm4b:s1+s12], $0x80, s22, s12, $0xb8;
	[tilespmem:$0x3CA0] =	vst v63  }
0x2c: {  	p0 =	sne.s32 s21, $0x1E00;
	s21 =	sadd.s32 $0x7D0, s22  }
0x2d: {  	[tilespmem:s14], [sflag:$0x2] =	stream.indirect.gather [hbm4b:s4+s12], $0x10, s21, s12, $0xb8;
	[tilespmem:$0x3CA0] =	vst v63  }
0x2e: {  	_ =	swait.ge [sflag:s15], $0x2800  }
0x2f: {  	[sflag:s15] =	ssyncset.done $0x0  }
0x30: {  	[sflag:s15] =	ssyncadd.s32 $0xFFFFD800  }
0x31: {  	_ =	swait.ge [sflag:s16], $0x500  }
0x32: {  	[sflag:s16] =	ssyncset.done $0x0  }
0x33: {  	[sflag:s16] =	ssyncadd.s32 $0xFFFFFB00  }
0x34: {  	[hbm4b:s19+s3] =	stream.linear.scatter [tilespmem:s13], [sflag:$0x3], $0x2800, $0x38;
	[tilespmem:$0x3CA0] =	vst v63  }
0x35: {  	_ =	swait.ge [sflag:s10], $0x2800  }
.Ltmp0:
0x36: {  	[sflag:s10] =	ssyncset.done $0x0;
	(pc) =	sbr.rel @p0 .LBB2_2-.Ltmp0, $4  }
0x37: {  	[sflag:s10] =	ssyncadd.s32 $0xFFFFD800  }
0x38: {  	[hbm4b:s18+s3] =	stream.linear.scatter [tilespmem:s14], [sflag:$0x3], $0x500, $0x38;
	[tilespmem:$0x3CA0] =	vst v63  }
0x39: {  	s21 =	smov.u32 s23;
	_ =	swait.ge [sflag:s10], $0x500  }
0x3a: {  	s19 =	sadd.s32 $0x500, s19;
	s18 =	sadd.s32 $0xA0, s18;
	[sflag:s10] =	ssyncset.done $0x0  }
0x3b: {  	s20 =	sshra.s32 s20, $0x2;
	[sflag:s10] =	ssyncadd.s32 $0xFFFFFB00  }
0x3c: {  	[tilespmem:s13], [sflag:$0x1] =	stream.indirect.gather [hbm4b:s1+s12], $0x80, s20, s12, $0xb8;
	[tilespmem:$0x3CA0] =	vst v63  }
0x3d: {  	s20 =	sadd.s32 $0x7D0, s20  }
0x3e: {  	[tilespmem:s14], [sflag:$0x2] =	stream.indirect.gather [hbm4b:s4+s12], $0x10, s20, s12, $0xb8;
	[tilespmem:$0x3CA0] =	vst v63  }
0x3f: {  	_ =	swait.ge [sflag:s15], $0x2800  }
0x40: {  	[sflag:s15] =	ssyncset.done $0x0  }
0x41: {  	[sflag:s15] =	ssyncadd.s32 $0xFFFFD800  }
0x42: {  	_ =	swait.ge [sflag:s16], $0x500  }
0x43: {  	[sflag:s16] =	ssyncset.done $0x0  }
0x44: {  	[sflag:s16] =	ssyncadd.s32 $0xFFFFFB00  }
0x45: {  	[hbm4b:s19+s3] =	stream.linear.scatter [tilespmem:s13], [sflag:$0x3], $0x2800, $0x38;
	[tilespmem:$0x3CA0] =	vst v63  }
0x46: {  	s17 =	sadd.s32 $0x1, s17;
	_ =	swait.ge [sflag:s10], $0x2800  }
0x47: {  	p0 =	sne.s32 s17, s7;
	[sflag:s10] =	ssyncset.done $0x0  }
.Ltmp1:
0x48: {  	[sflag:s10] =	ssyncadd.s32 $0xFFFFD800;
	(pc) =	sbr.rel @p0 .LBB2_1-.Ltmp1, $4  }
0x49: {  	[hbm4b:s18+s3] =	stream.linear.scatter [tilespmem:s14], [sflag:$0x3], $0x500, $0x38;
	[tilespmem:$0x3CA0] =	vst v63  }
0x4a: {  	_ =	swait.ge [sflag:s10], $0x500  }
0x4b: {  	[sflag:s10] =	ssyncset.done $0x0  }
0x4c: {  	[sflag:s10] =	ssyncadd.s32 $0xFFFFFB00  }
0x4d: {  	_ =	sfence.sel $0x180000  }
0x4e: {  	[bflag:$0x0] =	sbarrier.arrive $0xFFFF  }
0x4f: {  	p0 =	sne.s32 s2, $0x0;
	_ =	strace $0x90000050  }
0x50: {  	s0 =	sadd.s32 @!p0 $0x100000, s0;
	[bflag:$0x2] =	sbarrier.arrive $0xFFFF  }
0x51: {  	[sflag:s0] =	ssyncadd.tile.s32 @!p0 $0x1;
	_ =	shalt  }
.Lfunc_end2:
_tile_overlayer_lowered:
.L_overlay_start_2:
0x52: {  	(tag) =	ssettag $0x2  }
0x53: {  	s0 =	rddreg [dreg:$0x0];
	s2 =	stileid.u32  }
0x54: {  	s1 =	rddreg [dreg:$0x1];
	p0 =	sne.s32 s2, $0x0  }
0x55: {  	s3 =	rddreg [dreg:$0x2];
	[bflag:$0x3] =	sbarrier.arrive $0xFFFF;
	s2 =	simm.s32 @!p0 $0x1C03  }
0x56: {  	[timem:s3], [sflag:s2] =	dma.local @!p0 [hbm:s0], s1  }
0x57: {  	s0 =	simm.s32 @!p0 $0x3  }
0x58: {  	_ =	swait.ge @!p0 [sflag:s0], s1  }
0x59: {  	s1 =	ssub.s32 @!p0 $0x0, s1;
	[sflag:s0] =	ssyncset.done @!p0 $0x0  }
0x5a: {  	[sflag:s0] =	ssyncadd.s32 @!p0 s1  }
0x5b: {  	[bflag:$0x3] =	sbarrier.arrive $0xFFFF  }
0x5c: {  	_ =	shalt  }

// kernel: kernel.24.cloned.1.call-start
scs
__scs_entry_jumppad:
0x0: {  	(pc) =	sbr.rel $0x88, $3  }
0x1: {  	(tag) =	ssettag $0x0;
	lr =	simm.s32 $0x1  }
0x2: {  	[smem:$0x3F98] =	sst lr;
	_ =	strace $0xD0000000  }
0x3: {  	_ = 	snop  }
0x4: {  	_ = 	snop  }
0x5: {  	_ = 	snop  }
0x6: {  	_ = 	snop  }
0x7: {  	_ = 	snop  }
__scs_overlays_trampoline_lowered:
0x8: {  	[smem:$0x3FA7] =	sst s0  }
0x9: {  	[smem:$0x3FA8] =	sst s1  }
0xa: {  	[smem:$0x3FA9] =	sst s2  }
0xb: {  	[smem:$0x3FAA] =	sst s3  }
0xc: {  	[smem:$0x3FAB] =	sst s4  }
0xd: {  	[smem:$0x3FAC] =	sst s5  }
0xe: {  	[smem:$0x3FAD] =	sst s6  }
0xf: {  	[smem:$0x3FAE] =	sst s7  }
0x10: {  	[smem:$0x3FAF] =	sst s8  }
0x11: {  	[smem:$0x3FB0] =	sst s9;
	s0 =	simm.s32 @!p0 $0x0  }
0x12: {  	s1 =	sld [smem:$0x3F96];
	s0 =	simm.s32 @p0 $0x1  }
0x13: {  	[smem:$0x3FB1] =	sst s0;
	s0 =	simm.s32 @!p1 $0x0  }
0x14: {  	s2 =	sld [smem:$0x3F95];
	s0 =	simm.s32 @p1 $0x1  }
0x15: {  	[smem:$0x3FB2] =	sst s0;
	s0 =	simm.s32 @!p2 $0x0  }
0x16: {  	s3 =	sld [smem:$0x3FDB];
	s0 =	simm.s32 @p2 $0x1  }
0x17: {  	s4 =	simm.s32 $0x1BF5;
	[smem:$0x3FB4] =	sst s0  }
0x18: {  	s0 =	sld [smem:$0x3F97];
	_ =	swait.ge [sflag:s4], $0x0  }
0x19: {  	s7 =	sld [smem:$0x3F98]  }
0x1a: {  	s8 =	sadd.s32 $0xFFFFE003, lr  }
0x1b: {  	s9 =	sadd.s32 $0xFFFFFEF7, lr;
	s5 =	simm.s32 $0xFFFFFFFF;
	p2 =	slt.u32 s8, $0xFFFFF086  }
0x1c: {  	p1 =	slt.u32 s9, $0xF7A;
	s5 =	simm.s32 @!p2 $0x0  }
0x1d: {  	s5 =	simm.s32 @p1 $0x1;
	p0 =	seq.s32 s7, s2  }
0x1e: {  	s7 =	smul.u32 @!p0 $0xF7A, s2;
	p2 =	seq.s32 @!p0 s5, $0x0  }
0x1f: {  	s9 =	smul.u32 $0xF7A, s1;
	s8 =	simm.s32 @!p0 $0x1BF5;
	p2 =	por !p2, p0  }
0x20: {  	[sflag:s8] =	ssyncset.s32 @!p0 $0xFFFFF086;
	s6 =	sadd.s32 @!p0 s3, s7;
	s7 =	simm.s32 @!p0 $0x108  }
0x21: {  	s3 =	sadd.s32 s3, s9;
	s6 =	sadd.s32 @!p0 $0x88, s6;
	s7 =	simm.s32 @p2 $0x1082  }
0x22: {  	[simem:s7], [sflag:s8] =	dma.local @!p0 [hbm:s6], $0xF7A  }
0x23: {  	s9 =	sor.u32 $0xD0000000, s2;
	s6 =	simm.s32 $0x108;
	_ =	swait.ge @!p0 [sflag:s8], $0x0  }
0x24: {  	s3 =	sadd.s32 $0x88, s3;
	s6 =	simm.s32 @!p1 $0x1082;
	[sflag:s4] =	ssyncset.s32 $0xFFFFF086  }
0x25: {  	[simem:s6], [sflag:s4] =	dma.local [hbm:s3], $0xF7A  }
0x26: {  	[smem:$0x3F98] =	sst s1;
	(tag) =	ssettag s2;
	_ =	strace s9  }
0x27: {  	s1 =	sld [smem:$0x3FA8]  }
0x28: {  	s2 =	sld [smem:$0x3FA9]  }
0x29: {  	s4 =	sld [smem:$0x3FAB]  }
0x2a: {  	p0 =	seq.s32 s5, $0x0;
	s5 =	sld [smem:$0x3FAC]  }
0x2b: {  	s6 =	sld [smem:$0x3FAD]  }
0x2c: {  	s7 =	sld [smem:$0x3FAE]  }
0x2d: {  	s3 =	simm.s32 $0x108;
	s8 =	sld [smem:$0x3FAF]  }
0x2e: {  	s3 =	simm.s32 @!p0 $0x1082;
	s9 =	sld [smem:$0x3FB0]  }
0x2f: {  	lr =	sadd.s32 s0, s3;
	s0 =	sld [smem:$0x3FA7]  }
0x30: {  	s3 =	sld [smem:$0x3FAA]  }
0x31: {  	[smem:$0x3FB3] =	sst s10  }
0x32: {  	s10 =	sld [smem:$0x3FB1];
	_ =	sdelay $0x3  }
0x33: {  	p0 =	seq.s32 s10, $0x1;
	s10 =	sld [smem:$0x3FB3];
	_ =	sdelay $0x3  }
0x34: {  	[smem:$0x3FB3] =	sst s10  }
0x35: {  	s10 =	sld [smem:$0x3FB2];
	_ =	sdelay $0x3  }
0x36: {  	p1 =	seq.s32 s10, $0x1;
	s10 =	sld [smem:$0x3FB3];
	_ =	sdelay $0x3  }
0x37: {  	[smem:$0x3FB3] =	sst s10  }
0x38: {  	s10 =	sld [smem:$0x3FB4]  }
0x39: {  	_ = 	snop;
	(pc) =	sbr.ind lr, $3  }
0x3a: {  	_ = 	snop  }
0x3b: {  	_ = 	snop  }
0x3c: {  	p2 =	seq.s32 s10, $0x1;
	s10 =	sld [smem:$0x3FB3]  }
0x3d: {  	_ =	shalt  }
0x3e: {  	_ =	shalt  }
0x3f: {  	_ =	shalt  }
0x40: {  	_ =	shalt  }
0x41: {  	_ =	shalt  }
0x42: {  	_ =	shalt  }
0x43: {  	_ =	shalt  }
0x44: {  	_ =	shalt  }
0x45: {  	_ =	shalt  }
0x46: {  	_ =	shalt  }
0x47: {  	_ =	shalt  }
0x48: {  	_ =	shalt  }
0x49: {  	_ =	shalt  }
0x4a: {  	_ =	shalt  }
0x4b: {  	_ =	shalt  }
0x4c: {  	_ =	shalt  }
0x4d: {  	_ =	shalt  }
0x4e: {  	_ =	shalt  }
0x4f: {  	_ =	shalt  }
0x50: {  	_ =	shalt  }
0x51: {  	_ =	shalt  }
0x52: {  	_ =	shalt  }
0x53: {  	_ =	shalt  }
0x54: {  	_ =	shalt  }
0x55: {  	_ =	shalt  }
0x56: {  	_ =	shalt  }
0x57: {  	_ =	shalt  }
0x58: {  	_ =	shalt  }
0x59: {  	_ =	shalt  }
0x5a: {  	_ =	shalt  }
0x5b: {  	_ =	shalt  }
0x5c: {  	_ =	shalt  }
0x5d: {  	_ =	shalt  }
0x5e: {  	_ =	shalt  }
0x5f: {  	_ =	shalt  }
0x60: {  	_ =	shalt  }
0x61: {  	_ =	shalt  }
0x62: {  	_ =	shalt  }
0x63: {  	_ =	shalt  }
0x64: {  	_ =	shalt  }
0x65: {  	_ =	shalt  }
0x66: {  	_ =	shalt  }
0x67: {  	_ =	shalt  }
0x68: {  	_ =	shalt  }
0x69: {  	_ =	shalt  }
0x6a: {  	_ =	shalt  }
0x6b: {  	_ =	shalt  }
0x6c: {  	_ =	shalt  }
0x6d: {  	_ =	shalt  }
0x6e: {  	_ =	shalt  }
0x6f: {  	_ =	shalt  }
0x70: {  	_ =	shalt  }
0x71: {  	_ =	shalt  }
0x72: {  	_ =	shalt  }
0x73: {  	_ =	shalt  }
0x74: {  	_ =	shalt  }
0x75: {  	_ =	shalt  }
0x76: {  	_ =	shalt  }
0x77: {  	_ =	shalt  }
0x78: {  	_ =	shalt  }
0x79: {  	_ =	shalt  }
0x7a: {  	_ =	shalt  }
0x7b: {  	_ =	shalt  }
0x7c: {  	_ =	shalt  }
0x7d: {  	_ =	shalt  }
0x7e: {  	_ =	shalt  }
0x7f: {  	_ =	shalt  }
0x80: {  	_ =	shalt  }
0x81: {  	_ =	shalt  }
0x82: {  	_ =	shalt  }
0x83: {  	_ =	shalt  }
0x84: {  	_ =	shalt  }
0x85: {  	_ =	shalt  }
0x86: {  	_ =	shalt  }
0x87: {  	_ =	shalt  }
.Lfunc_end0:
.L_simem_size_0:
called_computation.4_lowered:
.L_overlay_start_0:
0x88: {  	s2 =	sld [smem:$0x3FD9]  }
0x89: {  	s3 =	sld [smem:$0x3FFE];
	_ =	sdelay $0x1  }
0x8a: {  	s1 =	srdreg.scid  }
0x8b: {  	s0 =	sand.u32 $0x1, s1  }
0x8c: {  	s17 =	sshll.u32 s0, $0xA;
	s2 =	sadd.s32 s3, s2  }
0x8d: {  	s2 =	sadd.s32 s2, s17  }
0x8e: {  	[smem:$0x3FBF] =	sst s2  }
0x8f: {  	_ = 	snop  }
0x90: {  	s18 =	sld [smem:$0x3FC8];
	(tm) =	ssettm $0x1  }
0x91: {  	s19 =	sld [smem:$0x3FFB];
	_ =	sdelay $0x3  }
0x92: {  	_ =	strace s19  }
0x93: {  	s2 =	sld [smem:$0x3FFC];
	_ =	sdelay $0x3  }
0x94: {  	_ =	strace s2  }
0x95: {  	s2 =	sld [smem:$0x3FFD];
	_ =	sdelay $0x3  }
0x96: {  	_ =	strace s2  }
0x97: {  	_ =	strace $0x8FFFFFFF  }
0x98: {  	s20 =	sld [smem:$0x3FDB];
	_ =	sdelay $0x1  }
0x99: {  	s4 =	simm.s32 $_scs_section_size  }
0x9a: {  	s5 =	simm.s32 $_size__tile_overlayer_lowered;
	s6 =	simm.s32 $_tile_overlayer_lowered  }
0x9b: {  	s7 =	simm.s32 $0x1BFF;
	s21 =	sshll.u32 s6, $0x1;
	s4 =	sadd.s32 s4, s20  }
0x9c: {  	s22 =	simm.s32 $0x0;
	s5 =	sshll.u32 s5, $0x1;
	s6 =	sadd.s32 s21, s4  }
0x9d: {  	[timem:s22], [sflag:s7] =	dma.local [hbm:s6], s5  }
0x9e: {  	_ =	swait.ge [sflag:s7], s5  }
0x9f: {  	s5 =	ssub.s32 $0x0, s5;
	[sflag:s7] =	ssyncset.done $0x0  }
0xa0: {  	[sflag:s7] =	ssyncadd.s32 s5;
	_ =	sdelay $0x1  }
0xa1: {  	s23 =	simm.s32 $0x1B8B  }
0xa2: {  	_ =	swait.ge [sflag:s23], $0x1  }
0xa3: {  	[sflag:s23] =	ssyncset.done $0x0  }
0xa4: {  	[sflag:s23] =	ssyncadd.s32 $0xFFFFFFFF  }
0xa5: {  	s5 =	sld [smem:$0x0]  }
0xa6: {  	s6 =	sand.u32 $0xFFFFFFFE, s1  }
0xa7: {  	p0 =	sne.s32 s1, s6  }
0xa8: {  	s6 =	sshll.u32 @p0 s6, $0xE  }
0xa9: {  	s6 =	sadd.s32 @p0 $0x11B8D, s6;
	s7 =	sshll.u32 @p0 s5, $0x11  }
0xaa: {  	s6 =	sor.u32 @p0 s7, s6  }
0xab: {  	[sflag:s6] =	ssyncadd.remote.s32 @p0 $0x1;
	_ =	sdelay $0x1  }
0xac: {  	s6 =	simm.s32 @p0 $0x1B8D  }
0xad: {  	_ =	swait.eq @p0 [sflag:s6], $0x1  }
0xae: {  	[sflag:s6] =	ssyncadd.s32 @p0 $0xFFFFFFFF  }
0xaf: {  	s7 =	sshll.u32 @!p0 s1, $0xE  }
0xb0: {  	s7 =	sor.u32 @!p0 $0x4000, s7;
	s6 =	simm.s32 @!p0 $0x1B8D  }
0xb1: {  	s5 =	sshll.u32 @!p0 s5, $0x11;
	s7 =	sadd.s32 @!p0 $0x11B8D, s7;
	_ =	swait.eq @!p0 [sflag:s6], $0x1  }
0xb2: {  	s5 =	sor.u32 @!p0 s5, s7;
	[sflag:s6] =	ssyncadd.s32 @!p0 $0xFFFFFFFF  }
0xb3: {  	s25 =	simm.s32 $0x1B8E;
	s24 =	sld [smem:$0x3FFE];
	[sflag:s5] =	ssyncadd.remote.s32 @!p0 $0x1  }
0xb4: {  	s26 =	simm.s32 $execute0_lowered;
	[smem:$0x3FD2] =	sst s25  }
0xb5: {  	s6 =	sshll.u32 s26, $0x1;
	_ =	strace $0x80000052;
	[dreg:$0x1] =	wrdreg $0xFFFFFFFF  }
0xb6: {  	s28 =	simm.s32 $_size_execute0_lowered;
	s4 =	sadd.s32 s4, s6;
	[dreg:$0x0] =	wrdreg $0x0  }
0xb7: {  	s6 =	sshll.u32 s28, $0x1;
	[dreg:$0x2] =	wrdreg s4  }
0xb8: {  	[dreg:$0x3] =	wrdreg s6  }
0xb9: {  	[dreg:$0x4] =	wrdreg $0xC0  }
0xba: {  	_ =	task [dreg:s22], $0x5FFFF  }
0xbb: {  	[dreg:$0x1] =	wrdreg $0xFFFFFFFF  }
0xbc: {  	[dreg:$0x0] =	wrdreg $0x60  }
0xbd: {  	[dreg:$0x2] =	wrdreg s18  }
0xbe: {  	[dreg:$0x3] =	wrdreg s24  }
0xbf: {  	[dreg:$0x4] =	wrdreg $0xD  }
0xc0: {  	_ =	task.clear_ibuf [dreg:s22], $0x5FFFF;
	_ =	strace $0x90000052  }
0xc1: {  	s29 =	simm.s32 $0xD;
	_ =	strace $0x80000054  }
0xc2: {  	_ =	swait.ge [sflag:s29], $0x1  }
0xc3: {  	[sflag:s29] =	ssyncadd.s32 $0xFFFFFFFF  }
0xc4: {  	_ =	strace $0x90000054  }
0xc5: {  	_ =	sfence  }
0xc6: {  	s30 =	sld [smem:$0x0];
	_ =	sdelay $0x2  }
0xc7: {  	s31 =	sshll.u32 s1, $0xD;
	s1 =	sshrl.u32 s1, $0x2  }
0xc8: {  	s4 =	sand.u32 $0x4000, s31;
	s1 =	sadd.s32 s1, s30  }
0xc9: {  	s0 =	sor.u32 s4, s0;
	s1 =	sshll.u32 s1, $0x11  }
0xca: {  	s0 =	sor.u32 s1, s0  }
0xcb: {  	s0 =	sadd.s32 $0x8F2B, s0  }
0xcc: {  	[sflag:s0] =	ssyncadd.remote.s32 $0x1  }
0xcd: {  	_ =	sfence.sel $0xFFFF  }
0xce: {  	[dreg:$0x0] =	wrdreg $0xFFFFFFFF;
	(pc) =	sbr.abs _section_cstart, $3  }
0xcf: {  	[dreg:$0x1] =	wrdreg $0xFFFFFFFF  }
0xd0: {  	_ =	task.clear_ibuf [dreg:s22], $0x2FFFF;
	_ =	strace $0x9FFFFFFF  }
0xd1: {  	(tm) =	ssettm $0x7FFFFFFF  }
tec
execute0_lowered:
.L_overlay_start_1:
0x0: {  	(tag) =	ssettag $0x1  }
0x1: {  	s2 =	rddreg [dreg:$0x0]  }
0x2: {  	s1 =	srdreg.scid;
	s0 =	stileid.u32  }
0x3: {  	s5 =	rddreg [dreg:$0x1];
	s3 =	simm.s32 $0x0;
	s13 =	simm.s32 $0xFA0  }
0x4: {  	s14 =	simm.s32 $0x37A0;
	s15 =	simm.s32 $0x1;
	s16 =	simm.s32 $0x2  }
0x5: {  	s17 =	simm.s32 $0x0;
	s6 =	sand.u32 $0x1, s1;
	s8 =	smul.u32 $0xFA00, s0  }
0x6: {  	s4 =	sshll.u32 s0, $0x1;
	s1 =	rddreg [dreg:$0x2];
	s9 =	smul.u32 $0x1F40, s0  }
0x7: {  	[smem:$0x7FF] =	sst s3;
	s4 =	sor.u32 s6, s4;
	s12 =	smul.u32 $0xFA0, s6  }
0x8: {  	_ =	strace $0x80000053;
	s10 =	ssub.s32 $0x2, s6;
	s30 =	smul.u32 $0x7D00, s6  }
0x9: {  	s7 =	smul.u32 $0x7D0, s4;
	s4 =	sadd.s32 $0x4E7200, s5;
	s29 =	sshrl.u32 s10, $0x1  }
0xa: {  	s11 =	sadd.s32 s8, s5;
	s9 =	sadd.s32 s9, s5;
	s8 =	ssub.s32 s10, s29  }
0xb: {  	s9 =	sadd.s32 s12, s9;
	s31 =	sadd.s32 s30, s11;
	s7 =	sshrl.u32 s7, $0x3  }
0xc: {  	s11 =	simm.s32 $0x7D0;
	s12 =	simm.s32 $0x50;
	s7 =	sadd.s32 s7, s5  }
0xd: {  	s10 =	simm.s32 $0x3;
	s5 =	sadd.s32 $0x45CE00, s7;
	s6 =	sadd.s32 $0x45AE00, s7  }
0xe: {  	s7 =	smax.u32 s8, $0x1;
	s8 =	sadd.s32 $0x45EE00, s9;
	s9 =	sadd.s32 $0x583600, s31  }
.LBB2_1:
0xf: {  	[tilespmem:s3], [sflag:$0x3] =	stream.linear.gather [hbm4b:s5+s3], $0x7D0, $0x38;
	[tilespmem:$0x3CA0] =	vst v63  }
0x10: {  	_ =	swait.ge [sflag:s10], $0x7D0  }
0x11: {  	[sflag:s10] =	ssyncset.done $0x0  }
0x12: {  	[sflag:s10] =	ssyncadd.s32 $0xFFFFF830  }
0x13: {  	[tilespmem:s11], [sflag:$0x3] =	stream.linear.gather [hbm4b:s6+s3], $0x7D0, $0x38;
	[tilespmem:$0x3CA0] =	vst v63  }
0x14: {  	_ =	swait.ge [sflag:s10], $0x7D0  }
0x15: {  	[sflag:s10] =	ssyncset.done $0x0  }
0x16: {  	s18 =	simm.s32 $0x0;
	[sflag:s10] =	ssyncadd.s32 $0xFFFFF830  }
0x17: {  	[tilespmem:s13], [sflag:$0x1] =	stream.indirect.gather [hbm4b:s2+s12], $0x80, s18, s12, $0xb8;
	[tilespmem:$0x3CA0] =	vst v63  }
0x18: {  	s31 =	simm.s32 $0x7D0  }
0x19: {  	[tilespmem:s14], [sflag:$0x2] =	stream.indirect.gather [hbm4b:s4+s12], $0x10, s31, s12, $0xb8;
	[tilespmem:$0x3CA0] =	vst v63  }
0x1a: {  	_ =	swait.ge [sflag:s15], $0x2800  }
0x1b: {  	[sflag:s15] =	ssyncset.done $0x0  }
0x1c: {  	[sflag:s15] =	ssyncadd.s32 $0xFFFFD800  }
0x1d: {  	_ =	swait.ge [sflag:s16], $0x500  }
0x1e: {  	[sflag:s16] =	ssyncset.done $0x0  }
0x1f: {  	[sflag:s16] =	ssyncadd.s32 $0xFFFFFB00  }
0x20: {  	[hbm4b:s9+s3] =	stream.linear.scatter [tilespmem:s13], [sflag:$0x3], $0x2800, $0x38;
	[tilespmem:$0x3CA0] =	vst v63  }
0x21: {  	_ =	swait.ge [sflag:s10], $0x2800  }
0x22: {  	[sflag:s10] =	ssyncset.done $0x0  }
0x23: {  	[sflag:s10] =	ssyncadd.s32 $0xFFFFD800  }
0x24: {  	[hbm4b:s8+s3] =	stream.linear.scatter [tilespmem:s14], [sflag:$0x3], $0x500, $0x38;
	[tilespmem:$0x3CA0] =	vst v63  }
0x25: {  	s20 =	simm.s32 $0x140;
	s21 =	simm.s32 $0x280;
	_ =	swait.ge [sflag:s10], $0x500  }
0x26: {  	s19 =	sadd.s32 $0x500, s9;
	s18 =	sadd.s32 $0xA0, s8;
	[sflag:s10] =	ssyncset.done $0x0  }
.LBB2_2:
0x27: {  	s22 =	sshra.s32 s20, $0x2  }
0x28: {  	[sflag:s10] =	ssyncadd.s32 $0xFFFFFB00;
	s20 =	smov.u32 s21;
	s23 =	sadd.s32 $0x140, s21  }
0x29: {  	[tilespmem:s13], [sflag:$0x1] =	stream.indirect.gather [hbm4b:s2+s12], $0x80, s22, s12, $0xb8;
	[tilespmem:$0x3CA0] =	vst v63  }
0x2a: {  	p0 =	sne.s32 s21, $0x1E00;
	s21 =	sadd.s32 $0x7D0, s22  }
0x2b: {  	[tilespmem:s14], [sflag:$0x2] =	stream.indirect.gather [hbm4b:s4+s12], $0x10, s21, s12, $0xb8;
	[tilespmem:$0x3CA0] =	vst v63  }
0x2c: {  	_ =	swait.ge [sflag:s15], $0x2800  }
0x2d: {  	[sflag:s15] =	ssyncset.done $0x0  }
0x2e: {  	[sflag:s15] =	ssyncadd.s32 $0xFFFFD800  }
0x2f: {  	_ =	swait.ge [sflag:s16], $0x500  }
0x30: {  	[sflag:s16] =	ssyncset.done $0x0  }
0x31: {  	[sflag:s16] =	ssyncadd.s32 $0xFFFFFB00  }
0x32: {  	[hbm4b:s19+s3] =	stream.linear.scatter [tilespmem:s13], [sflag:$0x3], $0x2800, $0x38;
	[tilespmem:$0x3CA0] =	vst v63  }
0x33: {  	_ =	swait.ge [sflag:s10], $0x2800  }
.Ltmp0:
0x34: {  	[sflag:s10] =	ssyncset.done $0x0;
	(pc) =	sbr.rel @p0 .LBB2_2-.Ltmp0, $4  }
0x35: {  	[sflag:s10] =	ssyncadd.s32 $0xFFFFD800  }
0x36: {  	[hbm4b:s18+s3] =	stream.linear.scatter [tilespmem:s14], [sflag:$0x3], $0x500, $0x38;
	[tilespmem:$0x3CA0] =	vst v63  }
0x37: {  	s21 =	smov.u32 s23;
	_ =	swait.ge [sflag:s10], $0x500  }
0x38: {  	s19 =	sadd.s32 $0x500, s19;
	s18 =	sadd.s32 $0xA0, s18;
	[sflag:s10] =	ssyncset.done $0x0  }
0x39: {  	s20 =	sshra.s32 s20, $0x2;
	[sflag:s10] =	ssyncadd.s32 $0xFFFFFB00  }
0x3a: {  	[tilespmem:s13], [sflag:$0x1] =	stream.indirect.gather [hbm4b:s2+s12], $0x80, s20, s12, $0xb8;
	[tilespmem:$0x3CA0] =	vst v63  }
0x3b: {  	s20 =	sadd.s32 $0x7D0, s20  }
0x3c: {  	[tilespmem:s14], [sflag:$0x2] =	stream.indirect.gather [hbm4b:s4+s12], $0x10, s20, s12, $0xb8;
	[tilespmem:$0x3CA0] =	vst v63  }
0x3d: {  	_ =	swait.ge [sflag:s15], $0x2800  }
0x3e: {  	[sflag:s15] =	ssyncset.done $0x0  }
0x3f: {  	[sflag:s15] =	ssyncadd.s32 $0xFFFFD800  }
0x40: {  	_ =	swait.ge [sflag:s16], $0x500  }
0x41: {  	[sflag:s16] =	ssyncset.done $0x0  }
0x42: {  	[sflag:s16] =	ssyncadd.s32 $0xFFFFFB00  }
0x43: {  	[hbm4b:s19+s3] =	stream.linear.scatter [tilespmem:s13], [sflag:$0x3], $0x2800, $0x38;
	[tilespmem:$0x3CA0] =	vst v63  }
0x44: {  	s17 =	sadd.s32 $0x1, s17;
	_ =	swait.ge [sflag:s10], $0x2800  }
0x45: {  	p0 =	sne.s32 s17, s7;
	[sflag:s10] =	ssyncset.done $0x0  }
.Ltmp1:
0x46: {  	[sflag:s10] =	ssyncadd.s32 $0xFFFFD800;
	(pc) =	sbr.rel @p0 .LBB2_1-.Ltmp1, $4  }
0x47: {  	[hbm4b:s18+s3] =	stream.linear.scatter [tilespmem:s14], [sflag:$0x3], $0x500, $0x38;
	[tilespmem:$0x3CA0] =	vst v63  }
0x48: {  	_ =	swait.ge [sflag:s10], $0x500  }
0x49: {  	[sflag:s10] =	ssyncset.done $0x0  }
0x4a: {  	[sflag:s10] =	ssyncadd.s32 $0xFFFFFB00  }
0x4b: {  	_ =	sfence.sel $0x180000  }
0x4c: {  	[bflag:$0x0] =	sbarrier.arrive $0xFFFF  }
0x4d: {  	p0 =	sne.s32 s0, $0x0;
	_ =	strace $0x90000053  }
0x4e: {  	s0 =	sadd.s32 @!p0 $0x100000, s1;
	[bflag:$0x2] =	sbarrier.arrive $0xFFFF  }
0x4f: {  	[sflag:s0] =	ssyncadd.tile.s32 @!p0 $0x1;
	_ =	shalt  }
.Lfunc_end2:
_tile_overlayer_lowered:
.L_overlay_start_2:
0x50: {  	(tag) =	ssettag $0x2  }
0x51: {  	s0 =	rddreg [dreg:$0x0];
	s2 =	stileid.u32  }
0x52: {  	s1 =	rddreg [dreg:$0x1];
	p0 =	sne.s32 s2, $0x0  }
0x53: {  	s3 =	rddreg [dreg:$0x2];
	[bflag:$0x3] =	sbarrier.arrive $0xFFFF;
	s2 =	simm.s32 @!p0 $0x1C03  }
0x54: {  	[timem:s3], [sflag:s2] =	dma.local @!p0 [hbm:s0], s1  }
0x55: {  	s0 =	simm.s32 @!p0 $0x3  }
0x56: {  	_ =	swait.ge @!p0 [sflag:s0], s1  }
0x57: {  	s1 =	ssub.s32 @!p0 $0x0, s1;
	[sflag:s0] =	ssyncset.done @!p0 $0x0  }
0x58: {  	[sflag:s0] =	ssyncadd.s32 @!p0 s1  }
0x59: {  	[bflag:$0x3] =	sbarrier.arrive $0xFFFF  }
0x5a: {  	_ =	shalt  }

</sc_bundles>
